<compile_context>
chip_gen: v7x
topology: tpu7x:2x2x1
jax: 0.10.2.dev20260603
libtpu: 0.0.44.dev20260713+nightly
codegen_flags: <defaults>
</compile_context>

<pallas_src>
import functools

import jax
import jax.numpy as jnp
from jax import lax
from jax.experimental import pallas as pl
from jax.experimental.pallas import tpu as pltpu
from jax.experimental.pallas import tpu_sc as plsc

EPS = 1e-5
L = 16
NC, NS = 2, 16
NW = NC * NS
TOPK = 8


def _score_body(x_ref, m_ref, wbf_ref, gt_ref, bet_ref, bc_ref, s_ref, *, D):
    xbt = x_ref[0].T
    mu = jnp.sum(xbt, axis=0, keepdims=True) * (1.0 / D)
    xc = xbt - mu
    var = jnp.sum(xc * xc, axis=0, keepdims=True) * (1.0 / D)
    xnt = xc / jnp.sqrt(var + EPS) * gt_ref[...] + bet_ref[...]
    xnb = xnt.astype(jnp.bfloat16)
    lgt = jnp.dot(wbf_ref[...], xnb,
                  preferred_element_type=jnp.float32)
    lgt = lgt + bc_ref[...]
    sc = jnp.max(lgt, axis=0)
    sc = jnp.where(m_ref[...] != 0, sc, -jnp.inf)
    s_ref[...] = sc


def _scores(x, mask_f, wbf, gt, bet, bc, b0, bg, bpb=4):
    B, N, D = x.shape
    C = wbf.shape[0]
    nblk = bg // bpb
    blk0 = b0 // bpb
    rows = bpb * N
    xr = x.reshape(B // bpb, rows, D)
    return pl.pallas_call(
        functools.partial(_score_body, D=D),
        grid=(nblk,),
        in_specs=[
            pl.BlockSpec((1, rows, D), lambda i: (blk0 + i, 0, 0)),
            pl.BlockSpec((rows,), lambda i: (blk0 + i,)),
            pl.BlockSpec((C, D), lambda i: (0, 0)),
            pl.BlockSpec((D, 1), lambda i: (0, 0)),
            pl.BlockSpec((D, 1), lambda i: (0, 0)),
            pl.BlockSpec((C, 1), lambda i: (0, 0)),
        ],
        out_specs=pl.BlockSpec((rows,), lambda i: (i,)),
        out_shape=jax.ShapeDtypeStruct((bg * N,), jnp.float32),
    )(xr, mask_f, wbf, gt, bet, bc)


def _sc_warm(tiny):
    mesh = plsc.VectorSubcoreMesh(core_axis_name="c", subcore_axis_name="s")

    @functools.partial(
        pl.kernel,
        mesh=mesh,
        out_type=jax.ShapeDtypeStruct((NW * L,), jnp.float32),
        scratch_types=[
            pltpu.VMEM((L,), jnp.float32),
        ],
        compiler_params=pltpu.CompilerParams(needs_layout_passes=False),
    )
    def k(t_hbm, out_hbm, v):
        wid = lax.axis_index("s") * NC + lax.axis_index("c")
        pltpu.sync_copy(v, out_hbm.at[pl.ds(wid * L, L)])

    return k(tiny)


def _sc_select(score_flat, x_flat, b0, bg, N, D):
    bags_per = bg // NW
    n_chunks = N // L
    mesh = plsc.VectorSubcoreMesh(core_axis_name="c", subcore_axis_name="s")

    @functools.partial(
        pl.kernel,
        mesh=mesh,
        out_type=jax.ShapeDtypeStruct((bg * L, D), jnp.float32),
        scratch_types=[
            pltpu.VMEM((N,), jnp.float32),
            pltpu.VMEM((L,), jnp.int32),
            pltpu.VMEM((L, D), jnp.float32),
            pltpu.SemaphoreType.DMA,
        ],
        compiler_params=pltpu.CompilerParams(needs_layout_passes=False),
    )
    def k(score_hbm, x_hbm, out_hbm, sv, idxv, rows, sem):
        wid = lax.axis_index("s") * NC + lax.axis_index("c")
        for j in range(bags_per):
            b = wid * bags_per + j
            pltpu.sync_copy(score_hbm.at[pl.ds(b * N, N)], sv)

            neg = jnp.full((L,), -jnp.inf, jnp.float32)
            zero = jnp.zeros((L,), jnp.int32)
            init = (neg,) * TOPK + (zero,) * TOPK

            def body(i, carry):
                ts, cs = carry[:TOPK], carry[TOPK:]
                cur = sv[pl.ds(i * L, L)]
                curi = jnp.full((L,), i, jnp.int32)
                nts, ncs = [], []
                for t, c in zip(ts, cs):
                    m = cur > t
                    hi = jnp.maximum(t, cur)
                    lo = jnp.minimum(t, cur)
                    nts.append(hi)
                    ncs.append(jnp.where(m, curi, c))
                    curi = jnp.where(m, c, curi)
                    cur = lo
                return tuple(nts) + tuple(ncs)

            carry = lax.fori_loop(0, n_chunks, body, init)
            ts, cs = carry[:TOPK], carry[TOPK:]

            lane = lax.iota(jnp.int32, L)
            pairs = [plsc.sort_key_val(ts[q], cs[q] * L + lane)
                     for q in range(TOPK)]

            def merge(pa, pb):
                ka, va = pa
                kb, vb = pb
                rk = lax.rev(kb, (0,))
                rv = lax.rev(vb, (0,))
                m = ka >= rk
                hk = jnp.maximum(ka, rk)
                hv = jnp.where(m, va, rv)
                return plsc.sort_key_val(hk, hv)

            while len(pairs) > 1:
                pairs = [merge(pairs[q], pairs[q + 1])
                         for q in range(0, len(pairs), 2)]
            _, vidx = pairs[0]

            idxv[...] = vidx + (b0 + b) * N
            pltpu.async_copy(x_hbm.at[idxv], rows, sem).wait()
            pltpu.sync_copy(rows, out_hbm.at[pl.ds(b * L, L)])

    return k(score_flat, x_flat)


def _final_body(xs_ref, g_ref, be_ref, wtbf_ref, b_ref, o_ref):
    B = xs_ref.shape[0]
    C = wtbf_ref.shape[1]
    acc = jnp.zeros((B, C), jnp.float32)
    for j in range(L - TOPK, L):
        xr = xs_ref[:, j, :]
        mu = jnp.mean(xr, axis=1, keepdims=True)
        xc = xr - mu
        var = jnp.mean(xc * xc, axis=1, keepdims=True)
        xn = xc / jnp.sqrt(var + EPS) * g_ref[0] + be_ref[0]
        acc = acc + jnp.dot(xn.astype(jnp.bfloat16), wtbf_ref[...],
                            preferred_element_type=jnp.float32)
    o_ref[...] = acc * (1.0 / TOPK) + b_ref[0]


def _final(xsel, g2, be2, wt, b2):
    B = xsel.shape[0]
    D = xsel.shape[2]
    C = wt.shape[1]
    return pl.pallas_call(
        _final_body,
        in_specs=[
            pl.BlockSpec((B, L, D), lambda: (0, 0, 0)),
            pl.BlockSpec((1, D), lambda: (0, 0)),
            pl.BlockSpec((1, D), lambda: (0, 0)),
            pl.BlockSpec((D, C), lambda: (0, 0)),
            pl.BlockSpec((1, C), lambda: (0, 0)),
        ],
        out_specs=pl.BlockSpec((B, C), lambda: (0, 0)),
        out_shape=jax.ShapeDtypeStruct((B, C), jnp.float32),
    )(xsel, g2, be2, wt, b2)


def kernel(x, mask, ln_gamma, ln_beta, W, b):
    B, N, D = x.shape
    C = W.shape[0]
    mask_f = mask.reshape(B * N).astype(jnp.float32)
    g2 = ln_gamma.reshape(1, D)
    be2 = ln_beta.reshape(1, D)
    wbf = W.astype(jnp.bfloat16)
    wtbf = wbf.T
    gt = ln_gamma.reshape(D, 1)
    bet = ln_beta.reshape(D, 1)
    bc = b.reshape(C, 1)
    b2 = b.reshape(1, C)
    G = 2
    bg = B // G
    xf = x.reshape(B * N, D)
    xsels = []
    for g in range(G):
        sg = _scores(x, mask_f, wbf, gt, bet, bc, g * bg, bg)
        xsels.append(_sc_select(sg, xf, g * bg, bg, N, D))
    xsel = jnp.concatenate(xsels, axis=0)
    return _final(xsel.reshape(B, L, D), g2, be2, wtbf, b2)

# --- scband reference (transcript-rebuilt; emitter-appended) ---
"""Pipeline reference for scband-milclassifier-44633300140138 (READ-ONLY COPY).

The authoritative reference and input builder live on the scoring server;
editing this copy changes nothing except your own understanding.
"""

import jax, jax.numpy as jnp
import numpy as np

B, N, D, C, TOPK = 64, 2048, 128, 16, 8
EPS = 1e-5

def setup_inputs(seed: int = 0) -> dict:
    key = jax.random.key(seed)
    k1, k2 = jax.random.split(key, 2)
    x = jax.random.normal(k1, (B, N, D), dtype=jnp.float32)
    mask = jnp.ones((B, N), dtype=bool)
    ln_gamma = jnp.ones((D,), dtype=jnp.float32)
    ln_beta = jnp.zeros((D,), dtype=jnp.float32)
    W = jax.random.normal(k2, (C, D), dtype=jnp.float32) * 0.05
    b = jnp.zeros((C,), dtype=jnp.float32)
    return {"x": x, "mask": mask, "ln_gamma": ln_gamma, "ln_beta": ln_beta, "W": W, "b": b}

def reference(x, mask, ln_gamma, ln_beta, W, b):
    # LayerNorm over last dim (use_layernorm=True, dropout=0 -> identity)
    mu = jnp.mean(x, axis=-1, keepdims=True)
    var = jnp.mean((x - mu) ** 2, axis=-1, keepdims=True)
    xn = (x - mu) / jnp.sqrt(var + EPS) * ln_gamma + ln_beta
    # per-clip classifier logits: (B, N, C)
    clip_logits = jnp.einsum('bnd,cd->bnc', xn, W) + b
    # y is None -> score = max over classes per clip
    score = jnp.max(clip_logits, axis=-1)  # (B, N)
    # mask invalid clips so they are never selected (True = valid)
    score = jnp.where(mask, score, -jnp.inf)
    # top-k clips per bag (k = min(topk, n_valid); all valid here so k = TOPK)
    _, idx = jax.lax.top_k(score, TOPK)  # (B, TOPK)
    sel = jnp.take_along_axis(clip_logits, idx[:, :, None], axis=1)  # (B, TOPK, C)
    logits = jnp.mean(sel, axis=1)  # (B, C)
    return logits

if __name__ == "__main__":
    import jax
    _d = setup_inputs()
    print(jax.jit(kernel)(*tuple(_d.values())))

</pallas_src>

<mosaic_0001>
#map = affine_map<(d0, d1) -> (0)>
#map1 = affine_map<(d0, d1) -> (0, 0)>
module attributes {stable_mosaic.version = 14 : i64} {
  func.func @k(%arg0: i32, %arg1: i32, %arg2: memref<65536xf32, #tpu.memory_space<hbm>>, %arg3: memref<131072x128xf32, #tpu.memory_space<hbm>>, %arg4: memref<512x128xf32, #tpu.memory_space<hbm>>, %arg5: memref<2048xf32, #tpu.memory_space<vmem>>, %arg6: memref<16xi32, #tpu.memory_space<vmem>>, %arg7: memref<16x128xf32, #tpu.memory_space<vmem>>, %arg8: memref<!tpu.dma_semaphore, #tpu.memory_space<semaphore_mem>>) attributes {dimension_semantics = [#tpu.dimension_semantics<core_parallel>, #tpu.dimension_semantics<subcore_parallel>], iteration_bounds = array<i64: 2, 16>, scalar_prefetch = 0 : i64, scratch_operands = 4 : i64, tpu.core_type = #tpu.core_type<sc_vector_subcore>, window_params = [{transform_indices = #map}, {transform_indices = #map1}, {transform_indices = #map1}]} {
    %mul3A = arith.constant 2 : i32
    %mul3A_0 = arith.muli %arg1, %mul3A : i32
    %add3A = arith.addi %mul3A_0, %arg0 : i32
    %mul3A_1 = arith.constant 1 : i32
    %mul3A_2 = arith.muli %add3A, %mul3A_1 : i32
    %add3A_3 = arith.constant 0 : i32
    %add3A_4 = arith.addi %mul3A_2, %add3A_3 : i32
    %mul3A_5 = arith.constant 2048 : i32
    %mul3A_6 = arith.muli %add3A_4, %mul3A_5 : i32
    "tpu.region"() ({
      %run_scoped3A = tpu.sem_alloc : memref<!tpu.dma_semaphore, #tpu.memory_space<semaphore_mem>>
      %dma_start3A_206 = tpu.memref_slice %arg2[%mul3A_6] : memref<65536xf32, #tpu.memory_space<hbm>> -> memref<2048xf32, #tpu.memory_space<hbm>>
      %dma_start3A_207 = tpu.memref_slice %arg2[%mul3A_6] : memref<65536xf32, #tpu.memory_space<hbm>> -> memref<2048xf32, #tpu.memory_space<hbm>>
      tpu.enqueue_dma source(%dma_start3A_207 : memref<2048xf32, #tpu.memory_space<hbm>>) target(%arg5 : memref<2048xf32, #tpu.memory_space<vmem>>) target_semaphore(%run_scoped3A : memref<!tpu.dma_semaphore, #tpu.memory_space<semaphore_mem>>)
      %dma_wait3A_208 = tpu.memref_slice %arg2[%mul3A_6] : memref<65536xf32, #tpu.memory_space<hbm>> -> memref<2048xf32, #tpu.memory_space<hbm>>
      %dma_wait3A_209 = tpu.memref_slice %arg2[%mul3A_6] : memref<65536xf32, #tpu.memory_space<hbm>> -> memref<2048xf32, #tpu.memory_space<hbm>>
      tpu.wait_dma2 semaphore(%run_scoped3A : memref<!tpu.dma_semaphore, #tpu.memory_space<semaphore_mem>>) src(%dma_wait3A_209 : memref<2048xf32, #tpu.memory_space<hbm>>) dst(%arg5 : memref<2048xf32, #tpu.memory_space<vmem>>)
      tpu.yield
    }) : () -> ()
    %broadcast_in_dim3A = arith.constant 0xFF800000 : f32
    %broadcast_in_dim3A_7 = vector.broadcast %broadcast_in_dim3A : f32 to vector<16xf32>
    %broadcast_in_dim3A_8 = arith.constant 0 : i32
    %broadcast_in_dim3A_9 = vector.broadcast %broadcast_in_dim3A_8 : i32 to vector<16xi32>
    %scan3A = arith.constant 0 : i32
    %scan3A_10 = arith.constant 128 : i32
    %scan3A_11 = arith.addi %scan3A, %scan3A_10 : i32
    %scan3A_12 = arith.constant 1 : i32
    %scan3A_13:16 = scf.for %scan3A_206 = %scan3A to %scan3A_11 step %scan3A_12 iter_args(%scan3A_207 = %broadcast_in_dim3A_7, %scan3A_208 = %broadcast_in_dim3A_7, %scan3A_209 = %broadcast_in_dim3A_7, %scan3A_210 = %broadcast_in_dim3A_7, %scan3A_211 = %broadcast_in_dim3A_7, %scan3A_212 = %broadcast_in_dim3A_7, %scan3A_213 = %broadcast_in_dim3A_7, %scan3A_214 = %broadcast_in_dim3A_7, %scan3A_215 = %broadcast_in_dim3A_9, %scan3A_216 = %broadcast_in_dim3A_9, %scan3A_217 = %broadcast_in_dim3A_9, %scan3A_218 = %broadcast_in_dim3A_9, %scan3A_219 = %broadcast_in_dim3A_9, %scan3A_220 = %broadcast_in_dim3A_9, %scan3A_221 = %broadcast_in_dim3A_9, %scan3A_222 = %broadcast_in_dim3A_9) -> (vector<16xf32>, vector<16xf32>, vector<16xf32>, vector<16xf32>, vector<16xf32>, vector<16xf32>, vector<16xf32>, vector<16xf32>, vector<16xi32>, vector<16xi32>, vector<16xi32>, vector<16xi32>, vector<16xi32>, vector<16xi32>, vector<16xi32>, vector<16xi32>)  : i32 {
      %mul3A_223 = arith.constant 16 : i32
      %mul3A_224 = arith.muli %scan3A_206, %mul3A_223 : i32
      %get3A = arith.index_cast %mul3A_224 : i32 to index
      %get3A_225 = tpu.vector_load %arg5[%get3A] {strides = array<i32>} : memref<2048xf32, #tpu.memory_space<vmem>>, vector<16xf32>,
      %broadcast_in_dim3A_226 = vector.broadcast %scan3A_206 : i32 to vector<16xi32>
      %gt3A = arith.cmpf ogt, %get3A_225, %scan3A_207 : vector<16xf32>
      %max3A_227 = arith.maximumf %scan3A_207, %get3A_225 : vector<16xf32>
      %min3A = arith.minimumf %scan3A_207, %get3A_225 : vector<16xf32>
      %select_n3A_228 = arith.select %gt3A, %broadcast_in_dim3A_226, %scan3A_215 : vector<16xi1>, vector<16xi32>
      %select_n3A_229 = arith.select %gt3A, %scan3A_215, %broadcast_in_dim3A_226 : vector<16xi1>, vector<16xi32>
      %gt3A_230 = arith.cmpf ogt, %min3A, %scan3A_208 : vector<16xf32>
      %max3A_231 = arith.maximumf %scan3A_208, %min3A : vector<16xf32>
      %min3A_232 = arith.minimumf %scan3A_208, %min3A : vector<16xf32>
      %select_n3A_233 = arith.select %gt3A_230, %select_n3A_229, %scan3A_216 : vector<16xi1>, vector<16xi32>
      %select_n3A_234 = arith.select %gt3A_230, %scan3A_216, %select_n3A_229 : vector<16xi1>, vector<16xi32>
      %gt3A_235 = arith.cmpf ogt, %min3A_232, %scan3A_209 : vector<16xf32>
      %max3A_236 = arith.maximumf %scan3A_209, %min3A_232 : vector<16xf32>
      %min3A_237 = arith.minimumf %scan3A_209, %min3A_232 : vector<16xf32>
      %select_n3A_238 = arith.select %gt3A_235, %select_n3A_234, %scan3A_217 : vector<16xi1>, vector<16xi32>
      %select_n3A_239 = arith.select %gt3A_235, %scan3A_217, %select_n3A_234 : vector<16xi1>, vector<16xi32>
      %gt3A_240 = arith.cmpf ogt, %min3A_237, %scan3A_210 : vector<16xf32>
      %max3A_241 = arith.maximumf %scan3A_210, %min3A_237 : vector<16xf32>
      %min3A_242 = arith.minimumf %scan3A_210, %min3A_237 : vector<16xf32>
      %select_n3A_243 = arith.select %gt3A_240, %select_n3A_239, %scan3A_218 : vector<16xi1>, vector<16xi32>
      %select_n3A_244 = arith.select %gt3A_240, %scan3A_218, %select_n3A_239 : vector<16xi1>, vector<16xi32>
      %gt3A_245 = arith.cmpf ogt, %min3A_242, %scan3A_211 : vector<16xf32>
      %max3A_246 = arith.maximumf %scan3A_211, %min3A_242 : vector<16xf32>
      %min3A_247 = arith.minimumf %scan3A_211, %min3A_242 : vector<16xf32>
      %select_n3A_248 = arith.select %gt3A_245, %select_n3A_244, %scan3A_219 : vector<16xi1>, vector<16xi32>
      %select_n3A_249 = arith.select %gt3A_245, %scan3A_219, %select_n3A_244 : vector<16xi1>, vector<16xi32>
      %gt3A_250 = arith.cmpf ogt, %min3A_247, %scan3A_212 : vector<16xf32>
      %max3A_251 = arith.maximumf %scan3A_212, %min3A_247 : vector<16xf32>
      %min3A_252 = arith.minimumf %scan3A_212, %min3A_247 : vector<16xf32>
      %select_n3A_253 = arith.select %gt3A_250, %select_n3A_249, %scan3A_220 : vector<16xi1>, vector<16xi32>
      %select_n3A_254 = arith.select %gt3A_250, %scan3A_220, %select_n3A_249 : vector<16xi1>, vector<16xi32>
      %gt3A_255 = arith.cmpf ogt, %min3A_252, %scan3A_213 : vector<16xf32>
      %max3A_256 = arith.maximumf %scan3A_213, %min3A_252 : vector<16xf32>
      %min3A_257 = arith.minimumf %scan3A_213, %min3A_252 : vector<16xf32>
      %select_n3A_258 = arith.select %gt3A_255, %select_n3A_254, %scan3A_221 : vector<16xi1>, vector<16xi32>
      %select_n3A_259 = arith.select %gt3A_255, %scan3A_221, %select_n3A_254 : vector<16xi1>, vector<16xi32>
      %gt3A_260 = arith.cmpf ogt, %min3A_257, %scan3A_214 : vector<16xf32>
      %max3A_261 = arith.maximumf %scan3A_214, %min3A_257 : vector<16xf32>
      %min3A_262 = arith.minimumf %scan3A_214, %min3A_257 : vector<16xf32>
      %select_n3A_263 = arith.select %gt3A_260, %select_n3A_259, %scan3A_222 : vector<16xi1>, vector<16xi32>
      %select_n3A_264 = arith.select %gt3A_260, %scan3A_222, %select_n3A_259 : vector<16xi1>, vector<16xi32>
      scf.yield %max3A_227, %max3A_231, %max3A_236, %max3A_241, %max3A_246, %max3A_251, %max3A_256, %max3A_261, %select_n3A_228, %select_n3A_233, %select_n3A_238, %select_n3A_243, %select_n3A_248, %select_n3A_253, %select_n3A_258, %select_n3A_263 : vector<16xf32>, vector<16xf32>, vector<16xf32>, vector<16xf32>, vector<16xf32>, vector<16xf32>, vector<16xf32>, vector<16xf32>, vector<16xi32>, vector<16xi32>, vector<16xi32>, vector<16xi32>, vector<16xi32>, vector<16xi32>, vector<16xi32>, vector<16xi32>
    }
    %scan3A_14 = arith.constant 128 : i32
    %iota3A = tpu.iota {dimensions = array<i32: 0>} : vector<16xi32>
    %mul3A_15 = arith.constant 16 : i32
    %mul3A_16 = vector.broadcast %mul3A_15 : i32 to vector<16xi32>
    %mul3A_17 = arith.muli %scan3A_13#8, %mul3A_16 : vector<16xi32>
    %add3A_18 = arith.addi %mul3A_17, %iota3A : vector<16xi32>
    %masked_sort3A = arith.constant dense<true> : vector<16xi1>
    %masked_sort3A_19, %masked_sort3A_20, %masked_sort3A_21 = tpu.sort %scan3A_13#0, %add3A_18 masked %masked_sort3A : (vector<16xf32>, vector<16xi32>, vector<16xi1>) -> (vector<16xi1>, vector<16xf32>, vector<16xi32>)
    %mul3A_22 = arith.constant 16 : i32
    %mul3A_23 = vector.broadcast %mul3A_22 : i32 to vector<16xi32>
    %mul3A_24 = arith.muli %scan3A_13#9, %mul3A_23 : vector<16xi32>
    %add3A_25 = arith.addi %mul3A_24, %iota3A : vector<16xi32>
    %masked_sort3A_26 = arith.constant dense<true> : vector<16xi1>
    %masked_sort3A_27, %masked_sort3A_28, %masked_sort3A_29 = tpu.sort %scan3A_13#1, %add3A_25 masked %masked_sort3A_26 : (vector<16xf32>, vector<16xi32>, vector<16xi1>) -> (vector<16xi1>, vector<16xf32>, vector<16xi32>)
    %mul3A_30 = arith.constant 16 : i32
    %mul3A_31 = vector.broadcast %mul3A_30 : i32 to vector<16xi32>
    %mul3A_32 = arith.muli %scan3A_13#10, %mul3A_31 : vector<16xi32>
    %add3A_33 = arith.addi %mul3A_32, %iota3A : vector<16xi32>
    %masked_sort3A_34 = arith.constant dense<true> : vector<16xi1>
    %masked_sort3A_35, %masked_sort3A_36, %masked_sort3A_37 = tpu.sort %scan3A_13#2, %add3A_33 masked %masked_sort3A_34 : (vector<16xf32>, vector<16xi32>, vector<16xi1>) -> (vector<16xi1>, vector<16xf32>, vector<16xi32>)
    %mul3A_38 = arith.constant 16 : i32
    %mul3A_39 = vector.broadcast %mul3A_38 : i32 to vector<16xi32>
    %mul3A_40 = arith.muli %scan3A_13#11, %mul3A_39 : vector<16xi32>
    %add3A_41 = arith.addi %mul3A_40, %iota3A : vector<16xi32>
    %masked_sort3A_42 = arith.constant dense<true> : vector<16xi1>
    %masked_sort3A_43, %masked_sort3A_44, %masked_sort3A_45 = tpu.sort %scan3A_13#3, %add3A_41 masked %masked_sort3A_42 : (vector<16xf32>, vector<16xi32>, vector<16xi1>) -> (vector<16xi1>, vector<16xf32>, vector<16xi32>)
    %mul3A_46 = arith.constant 16 : i32
    %mul3A_47 = vector.broadcast %mul3A_46 : i32 to vector<16xi32>
    %mul3A_48 = arith.muli %scan3A_13#12, %mul3A_47 : vector<16xi32>
    %add3A_49 = arith.addi %mul3A_48, %iota3A : vector<16xi32>
    %masked_sort3A_50 = arith.constant dense<true> : vector<16xi1>
    %masked_sort3A_51, %masked_sort3A_52, %masked_sort3A_53 = tpu.sort %scan3A_13#4, %add3A_49 masked %masked_sort3A_50 : (vector<16xf32>, vector<16xi32>, vector<16xi1>) -> (vector<16xi1>, vector<16xf32>, vector<16xi32>)
    %mul3A_54 = arith.constant 16 : i32
    %mul3A_55 = vector.broadcast %mul3A_54 : i32 to vector<16xi32>
    %mul3A_56 = arith.muli %scan3A_13#13, %mul3A_55 : vector<16xi32>
    %add3A_57 = arith.addi %mul3A_56, %iota3A : vector<16xi32>
    %masked_sort3A_58 = arith.constant dense<true> : vector<16xi1>
    %masked_sort3A_59, %masked_sort3A_60, %masked_sort3A_61 = tpu.sort %scan3A_13#5, %add3A_57 masked %masked_sort3A_58 : (vector<16xf32>, vector<16xi32>, vector<16xi1>) -> (vector<16xi1>, vector<16xf32>, vector<16xi32>)
    %mul3A_62 = arith.constant 16 : i32
    %mul3A_63 = vector.broadcast %mul3A_62 : i32 to vector<16xi32>
    %mul3A_64 = arith.muli %scan3A_13#14, %mul3A_63 : vector<16xi32>
    %add3A_65 = arith.addi %mul3A_64, %iota3A : vector<16xi32>
    %masked_sort3A_66 = arith.constant dense<true> : vector<16xi1>
    %masked_sort3A_67, %masked_sort3A_68, %masked_sort3A_69 = tpu.sort %scan3A_13#6, %add3A_65 masked %masked_sort3A_66 : (vector<16xf32>, vector<16xi32>, vector<16xi1>) -> (vector<16xi1>, vector<16xf32>, vector<16xi32>)
    %mul3A_70 = arith.constant 16 : i32
    %mul3A_71 = vector.broadcast %mul3A_70 : i32 to vector<16xi32>
    %mul3A_72 = arith.muli %scan3A_13#15, %mul3A_71 : vector<16xi32>
    %add3A_73 = arith.addi %mul3A_72, %iota3A : vector<16xi32>
    %masked_sort3A_74 = arith.constant dense<true> : vector<16xi1>
    %masked_sort3A_75, %masked_sort3A_76, %masked_sort3A_77 = tpu.sort %scan3A_13#7, %add3A_73 masked %masked_sort3A_74 : (vector<16xf32>, vector<16xi32>, vector<16xi1>) -> (vector<16xi1>, vector<16xf32>, vector<16xi32>)
    %rev3A = arith.constant 15 : i32
    %rev3A_78 = vector.broadcast %rev3A : i32 to vector<16xi32>
    %rev3A_79 = tpu.iota {dimensions = array<i32: 0>} : vector<16xi32>
    %rev3A_80 = arith.subi %rev3A_78, %rev3A_79 : vector<16xi32>
    %rev3A_81 = tpu.dynamic_gather %masked_sort3A_28[%rev3A_80] in [0] : vector<16xf32>, vector<16xi32> -> vector<16xf32>
    %rev3A_82 = arith.constant 15 : i32
    %rev3A_83 = vector.broadcast %rev3A_82 : i32 to vector<16xi32>
    %rev3A_84 = tpu.iota {dimensions = array<i32: 0>} : vector<16xi32>
    %rev3A_85 = arith.subi %rev3A_83, %rev3A_84 : vector<16xi32>
    %rev3A_86 = tpu.dynamic_gather %masked_sort3A_29[%rev3A_85] in [0] : vector<16xi32>, vector<16xi32> -> vector<16xi32>
    %ge3A = arith.cmpf oge, %masked_sort3A_20, %rev3A_81 : vector<16xf32>
    %max3A = arith.maximumf %masked_sort3A_20, %rev3A_81 : vector<16xf32>
    %select_n3A = arith.select %ge3A, %masked_sort3A_21, %rev3A_86 : vector<16xi1>, vector<16xi32>
    %masked_sort3A_87 = arith.constant dense<true> : vector<16xi1>
    %masked_sort3A_88, %masked_sort3A_89, %masked_sort3A_90 = tpu.sort %max3A, %select_n3A masked %masked_sort3A_87 : (vector<16xf32>, vector<16xi32>, vector<16xi1>) -> (vector<16xi1>, vector<16xf32>, vector<16xi32>)
    %rev3A_91 = arith.constant 15 : i32
    %rev3A_92 = vector.broadcast %rev3A_91 : i32 to vector<16xi32>
    %rev3A_93 = tpu.iota {dimensions = array<i32: 0>} : vector<16xi32>
    %rev3A_94 = arith.subi %rev3A_92, %rev3A_93 : vector<16xi32>
    %rev3A_95 = tpu.dynamic_gather %masked_sort3A_44[%rev3A_94] in [0] : vector<16xf32>, vector<16xi32> -> vector<16xf32>
    %rev3A_96 = arith.constant 15 : i32
    %rev3A_97 = vector.broadcast %rev3A_96 : i32 to vector<16xi32>
    %rev3A_98 = tpu.iota {dimensions = array<i32: 0>} : vector<16xi32>
    %rev3A_99 = arith.subi %rev3A_97, %rev3A_98 : vector<16xi32>
    %rev3A_100 = tpu.dynamic_gather %masked_sort3A_45[%rev3A_99] in [0] : vector<16xi32>, vector<16xi32> -> vector<16xi32>
    %ge3A_101 = arith.cmpf oge, %masked_sort3A_36, %rev3A_95 : vector<16xf32>
    %max3A_102 = arith.maximumf %masked_sort3A_36, %rev3A_95 : vector<16xf32>
    %select_n3A_103 = arith.select %ge3A_101, %masked_sort3A_37, %rev3A_100 : vector<16xi1>, vector<16xi32>
    %masked_sort3A_104 = arith.constant dense<true> : vector<16xi1>
    %masked_sort3A_105, %masked_sort3A_106, %masked_sort3A_107 = tpu.sort %max3A_102, %select_n3A_103 masked %masked_sort3A_104 : (vector<16xf32>, vector<16xi32>, vector<16xi1>) -> (vector<16xi1>, vector<16xf32>, vector<16xi32>)
    %rev3A_108 = arith.constant 15 : i32
    %rev3A_109 = vector.broadcast %rev3A_108 : i32 to vector<16xi32>
    %rev3A_110 = tpu.iota {dimensions = array<i32: 0>} : vector<16xi32>
    %rev3A_111 = arith.subi %rev3A_109, %rev3A_110 : vector<16xi32>
    %rev3A_112 = tpu.dynamic_gather %masked_sort3A_60[%rev3A_111] in [0] : vector<16xf32>, vector<16xi32> -> vector<16xf32>
    %rev3A_113 = arith.constant 15 : i32
    %rev3A_114 = vector.broadcast %rev3A_113 : i32 to vector<16xi32>
    %rev3A_115 = tpu.iota {dimensions = array<i32: 0>} : vector<16xi32>
    %rev3A_116 = arith.subi %rev3A_114, %rev3A_115 : vector<16xi32>
    %rev3A_117 = tpu.dynamic_gather %masked_sort3A_61[%rev3A_116] in [0] : vector<16xi32>, vector<16xi32> -> vector<16xi32>
    %ge3A_118 = arith.cmpf oge, %masked_sort3A_52, %rev3A_112 : vector<16xf32>
    %max3A_119 = arith.maximumf %masked_sort3A_52, %rev3A_112 : vector<16xf32>
    %select_n3A_120 = arith.select %ge3A_118, %masked_sort3A_53, %rev3A_117 : vector<16xi1>, vector<16xi32>
    %masked_sort3A_121 = arith.constant dense<true> : vector<16xi1>
    %masked_sort3A_122, %masked_sort3A_123, %masked_sort3A_124 = tpu.sort %max3A_119, %select_n3A_120 masked %masked_sort3A_121 : (vector<16xf32>, vector<16xi32>, vector<16xi1>) -> (vector<16xi1>, vector<16xf32>, vector<16xi32>)
    %rev3A_125 = arith.constant 15 : i32
    %rev3A_126 = vector.broadcast %rev3A_125 : i32 to vector<16xi32>
    %rev3A_127 = tpu.iota {dimensions = array<i32: 0>} : vector<16xi32>
    %rev3A_128 = arith.subi %rev3A_126, %rev3A_127 : vector<16xi32>
    %rev3A_129 = tpu.dynamic_gather %masked_sort3A_76[%rev3A_128] in [0] : vector<16xf32>, vector<16xi32> -> vector<16xf32>
    %rev3A_130 = arith.constant 15 : i32
    %rev3A_131 = vector.broadcast %rev3A_130 : i32 to vector<16xi32>
    %rev3A_132 = tpu.iota {dimensions = array<i32: 0>} : vector<16xi32>
    %rev3A_133 = arith.subi %rev3A_131, %rev3A_132 : vector<16xi32>
    %rev3A_134 = tpu.dynamic_gather %masked_sort3A_77[%rev3A_133] in [0] : vector<16xi32>, vector<16xi32> -> vector<16xi32>
    %ge3A_135 = arith.cmpf oge, %masked_sort3A_68, %rev3A_129 : vector<16xf32>
    %max3A_136 = arith.maximumf %masked_sort3A_68, %rev3A_129 : vector<16xf32>
    %select_n3A_137 = arith.select %ge3A_135, %masked_sort3A_69, %rev3A_134 : vector<16xi1>, vector<16xi32>
    %masked_sort3A_138 = arith.constant dense<true> : vector<16xi1>
    %masked_sort3A_139, %masked_sort3A_140, %masked_sort3A_141 = tpu.sort %max3A_136, %select_n3A_137 masked %masked_sort3A_138 : (vector<16xf32>, vector<16xi32>, vector<16xi1>) -> (vector<16xi1>, vector<16xf32>, vector<16xi32>)
    %rev3A_142 = arith.constant 15 : i32
    %rev3A_143 = vector.broadcast %rev3A_142 : i32 to vector<16xi32>
    %rev3A_144 = tpu.iota {dimensions = array<i32: 0>} : vector<16xi32>
    %rev3A_145 = arith.subi %rev3A_143, %rev3A_144 : vector<16xi32>
    %rev3A_146 = tpu.dynamic_gather %masked_sort3A_106[%rev3A_145] in [0] : vector<16xf32>, vector<16xi32> -> vector<16xf32>
    %rev3A_147 = arith.constant 15 : i32
    %rev3A_148 = vector.broadcast %rev3A_147 : i32 to vector<16xi32>
    %rev3A_149 = tpu.iota {dimensions = array<i32: 0>} : vector<16xi32>
    %rev3A_150 = arith.subi %rev3A_148, %rev3A_149 : vector<16xi32>
    %rev3A_151 = tpu.dynamic_gather %masked_sort3A_107[%rev3A_150] in [0] : vector<16xi32>, vector<16xi32> -> vector<16xi32>
    %ge3A_152 = arith.cmpf oge, %masked_sort3A_89, %rev3A_146 : vector<16xf32>
    %max3A_153 = arith.maximumf %masked_sort3A_89, %rev3A_146 : vector<16xf32>
    %select_n3A_154 = arith.select %ge3A_152, %masked_sort3A_90, %rev3A_151 : vector<16xi1>, vector<16xi32>
    %masked_sort3A_155 = arith.constant dense<true> : vector<16xi1>
    %masked_sort3A_156, %masked_sort3A_157, %masked_sort3A_158 = tpu.sort %max3A_153, %select_n3A_154 masked %masked_sort3A_155 : (vector<16xf32>, vector<16xi32>, vector<16xi1>) -> (vector<16xi1>, vector<16xf32>, vector<16xi32>)
    %rev3A_159 = arith.constant 15 : i32
    %rev3A_160 = vector.broadcast %rev3A_159 : i32 to vector<16xi32>
    %rev3A_161 = tpu.iota {dimensions = array<i32: 0>} : vector<16xi32>
    %rev3A_162 = arith.subi %rev3A_160, %rev3A_161 : vector<16xi32>
    %rev3A_163 = tpu.dynamic_gather %masked_sort3A_140[%rev3A_162] in [0] : vector<16xf32>, vector<16xi32> -> vector<16xf32>
    %rev3A_164 = arith.constant 15 : i32
    %rev3A_165 = vector.broadcast %rev3A_164 : i32 to vector<16xi32>
    %rev3A_166 = tpu.iota {dimensions = array<i32: 0>} : vector<16xi32>
    %rev3A_167 = arith.subi %rev3A_165, %rev3A_166 : vector<16xi32>
    %rev3A_168 = tpu.dynamic_gather %masked_sort3A_141[%rev3A_167] in [0] : vector<16xi32>, vector<16xi32> -> vector<16xi32>
    %ge3A_169 = arith.cmpf oge, %masked_sort3A_123, %rev3A_163 : vector<16xf32>
    %max3A_170 = arith.maximumf %masked_sort3A_123, %rev3A_163 : vector<16xf32>
    %select_n3A_171 = arith.select %ge3A_169, %masked_sort3A_124, %rev3A_168 : vector<16xi1>, vector<16xi32>
    %masked_sort3A_172 = arith.constant dense<true> : vector<16xi1>
    %masked_sort3A_173, %masked_sort3A_174, %masked_sort3A_175 = tpu.sort %max3A_170, %select_n3A_171 masked %masked_sort3A_172 : (vector<16xf32>, vector<16xi32>, vector<16xi1>) -> (vector<16xi1>, vector<16xf32>, vector<16xi32>)
    %rev3A_176 = arith.constant 15 : i32
    %rev3A_177 = vector.broadcast %rev3A_176 : i32 to vector<16xi32>
    %rev3A_178 = tpu.iota {dimensions = array<i32: 0>} : vector<16xi32>
    %rev3A_179 = arith.subi %rev3A_177, %rev3A_178 : vector<16xi32>
    %rev3A_180 = tpu.dynamic_gather %masked_sort3A_174[%rev3A_179] in [0] : vector<16xf32>, vector<16xi32> -> vector<16xf32>
    %rev3A_181 = arith.constant 15 : i32
    %rev3A_182 = vector.broadcast %rev3A_181 : i32 to vector<16xi32>
    %rev3A_183 = tpu.iota {dimensions = array<i32: 0>} : vector<16xi32>
    %rev3A_184 = arith.subi %rev3A_182, %rev3A_183 : vector<16xi32>
    %rev3A_185 = tpu.dynamic_gather %masked_sort3A_175[%rev3A_184] in [0] : vector<16xi32>, vector<16xi32> -> vector<16xi32>
    %ge3A_186 = arith.cmpf oge, %masked_sort3A_157, %rev3A_180 : vector<16xf32>
    %max3A_187 = arith.maximumf %masked_sort3A_157, %rev3A_180 : vector<16xf32>
    %select_n3A_188 = arith.select %ge3A_186, %masked_sort3A_158, %rev3A_185 : vector<16xi1>, vector<16xi32>
    %masked_sort3A_189 = arith.constant dense<true> : vector<16xi1>
    %masked_sort3A_190, %masked_sort3A_191, %masked_sort3A_192 = tpu.sort %max3A_187, %select_n3A_188 masked %masked_sort3A_189 : (vector<16xf32>, vector<16xi32>, vector<16xi1>) -> (vector<16xi1>, vector<16xf32>, vector<16xi32>)
    %add3A_193 = arith.constant 32 : i32
    %add3A_194 = arith.addi %add3A_193, %add3A_4 : i32
    %mul3A_195 = arith.constant 2048 : i32
    %mul3A_196 = arith.muli %add3A_194, %mul3A_195 : i32
    %add3A_197 = vector.broadcast %mul3A_196 : i32 to vector<16xi32>
    %add3A_198 = arith.addi %masked_sort3A_192, %add3A_197 : vector<16xi32>
    %swap3A = arith.constant 0 : index
    %swap3A_199 = tpu.vector_load %arg6[%swap3A] {strides = array<i32>} : memref<16xi32, #tpu.memory_space<vmem>>, vector<16xi32>,
    tpu.vector_store %arg6[%swap3A], %add3A_198 {strides = array<i32>} : memref<16xi32, #tpu.memory_space<vmem>>, vector<16xi32>,
    %dma_start3A = arith.constant 0 : i32
    %dma_start3A_200 = arith.constant 0 : i32
    %dma_start3A_201 = tpu.memref_slice %arg3[%dma_start3A, %dma_start3A_200] : memref<131072x128xf32, #tpu.memory_space<hbm>> -> memref<131072x128xf32, #tpu.memory_space<hbm>>
    tpu.enqueue_indirect_dma source(%dma_start3A_201 : memref<131072x128xf32, #tpu.memory_space<hbm>>) target(%arg7 : memref<16x128xf32, #tpu.memory_space<vmem>>) offsets(%arg6 : memref<16xi32, #tpu.memory_space<vmem>>) semaphore(%arg8 : memref<!tpu.dma_semaphore, #tpu.memory_space<semaphore_mem>>)
    %dma_wait3A = arith.constant 0 : i32
    %dma_wait3A_202 = arith.constant 0 : i32
    %dma_wait3A_203 = tpu.memref_slice %arg3[%dma_wait3A, %dma_wait3A_202] : memref<131072x128xf32, #tpu.memory_space<hbm>> -> memref<131072x128xf32, #tpu.memory_space<hbm>>
    tpu.wait_indirect_dma semaphore(%arg8 : memref<!tpu.dma_semaphore, #tpu.memory_space<semaphore_mem>>) src(%dma_wait3A_203 : memref<131072x128xf32, #tpu.memory_space<hbm>>) dst(%arg7 : memref<16x128xf32, #tpu.memory_space<vmem>>)
    %mul3A_204 = arith.constant 16 : i32
    %mul3A_205 = arith.muli %add3A_4, %mul3A_204 : i32
    "tpu.region"() ({
      %run_scoped3A = tpu.sem_alloc : memref<!tpu.dma_semaphore, #tpu.memory_space<semaphore_mem>>
      %dma_start3A_206 = arith.constant 0 : i32
      %dma_start3A_207 = tpu.memref_slice %arg4[%mul3A_205, %dma_start3A_206] : memref<512x128xf32, #tpu.memory_space<hbm>> -> memref<16x128xf32, #tpu.memory_space<hbm>>
      %dma_start3A_208 = arith.constant 0 : i32
      %dma_start3A_209 = tpu.memref_slice %arg4[%mul3A_205, %dma_start3A_208] : memref<512x128xf32, #tpu.memory_space<hbm>> -> memref<16x128xf32, #tpu.memory_space<hbm>>
      tpu.enqueue_dma source(%arg7 : memref<16x128xf32, #tpu.memory_space<vmem>>) target(%dma_start3A_209 : memref<16x128xf32, #tpu.memory_space<hbm>>) target_semaphore(%run_scoped3A : memref<!tpu.dma_semaphore, #tpu.memory_space<semaphore_mem>>)
      %dma_wait3A_210 = arith.constant 0 : i32
      %dma_wait3A_211 = tpu.memref_slice %arg4[%mul3A_205, %dma_wait3A_210] : memref<512x128xf32, #tpu.memory_space<hbm>> -> memref<16x128xf32, #tpu.memory_space<hbm>>
      %dma_wait3A_212 = arith.constant 0 : i32
      %dma_wait3A_213 = tpu.memref_slice %arg4[%mul3A_205, %dma_wait3A_212] : memref<512x128xf32, #tpu.memory_space<hbm>> -> memref<16x128xf32, #tpu.memory_space<hbm>>
      tpu.wait_dma2 semaphore(%run_scoped3A : memref<!tpu.dma_semaphore, #tpu.memory_space<semaphore_mem>>) src(%arg7 : memref<16x128xf32, #tpu.memory_space<vmem>>) dst(%dma_wait3A_213 : memref<16x128xf32, #tpu.memory_space<hbm>>)
      tpu.yield
    }) : () -> ()
    return
  }
}

#map = affine_map<(d0, d1) -> (0)>
#map1 = affine_map<(d0, d1) -> (0, 0)>
module attributes {stable_mosaic.version = 14 : i64} {
  func.func @k(%arg0: i32, %arg1: i32, %arg2: memref<65536xf32, #tpu.memory_space<hbm>>, %arg3: memref<131072x128xf32, #tpu.memory_space<hbm>>, %arg4: memref<512x128xf32, #tpu.memory_space<hbm>>, %arg5: memref<2048xf32, #tpu.memory_space<vmem>>, %arg6: memref<16xi32, #tpu.memory_space<vmem>>, %arg7: memref<16x128xf32, #tpu.memory_space<vmem>>, %arg8: memref<!tpu.dma_semaphore, #tpu.memory_space<semaphore_mem>>) attributes {dimension_semantics = [#tpu.dimension_semantics<core_parallel>, #tpu.dimension_semantics<subcore_parallel>], iteration_bounds = array<i64: 2, 16>, scalar_prefetch = 0 : i64, scratch_operands = 4 : i64, tpu.core_type = #tpu.core_type<sc_vector_subcore>, window_params = [{transform_indices = #map}, {transform_indices = #map1}, {transform_indices = #map1}]} {
    %mul3A = arith.constant 2 : i32
    %mul3A_0 = arith.muli %arg1, %mul3A : i32
    %add3A = arith.addi %mul3A_0, %arg0 : i32
    %mul3A_1 = arith.constant 1 : i32
    %mul3A_2 = arith.muli %add3A, %mul3A_1 : i32
    %add3A_3 = arith.constant 0 : i32
    %add3A_4 = arith.addi %mul3A_2, %add3A_3 : i32
    %mul3A_5 = arith.constant 2048 : i32
    %mul3A_6 = arith.muli %add3A_4, %mul3A_5 : i32
    "tpu.region"() ({
      %run_scoped3A = tpu.sem_alloc : memref<!tpu.dma_semaphore, #tpu.memory_space<semaphore_mem>>
      %dma_start3A_206 = tpu.memref_slice %arg2[%mul3A_6] : memref<65536xf32, #tpu.memory_space<hbm>> -> memref<2048xf32, #tpu.memory_space<hbm>>
      %dma_start3A_207 = tpu.memref_slice %arg2[%mul3A_6] : memref<65536xf32, #tpu.memory_space<hbm>> -> memref<2048xf32, #tpu.memory_space<hbm>>
      tpu.enqueue_dma source(%dma_start3A_207 : memref<2048xf32, #tpu.memory_space<hbm>>) target(%arg5 : memref<2048xf32, #tpu.memory_space<vmem>>) target_semaphore(%run_scoped3A : memref<!tpu.dma_semaphore, #tpu.memory_space<semaphore_mem>>)
      %dma_wait3A_208 = tpu.memref_slice %arg2[%mul3A_6] : memref<65536xf32, #tpu.memory_space<hbm>> -> memref<2048xf32, #tpu.memory_space<hbm>>
      %dma_wait3A_209 = tpu.memref_slice %arg2[%mul3A_6] : memref<65536xf32, #tpu.memory_space<hbm>> -> memref<2048xf32, #tpu.memory_space<hbm>>
      tpu.wait_dma2 semaphore(%run_scoped3A : memref<!tpu.dma_semaphore, #tpu.memory_space<semaphore_mem>>) src(%dma_wait3A_209 : memref<2048xf32, #tpu.memory_space<hbm>>) dst(%arg5 : memref<2048xf32, #tpu.memory_space<vmem>>)
      tpu.yield
    }) : () -> ()
    %broadcast_in_dim3A = arith.constant 0xFF800000 : f32
    %broadcast_in_dim3A_7 = vector.broadcast %broadcast_in_dim3A : f32 to vector<16xf32>
    %broadcast_in_dim3A_8 = arith.constant 0 : i32
    %broadcast_in_dim3A_9 = vector.broadcast %broadcast_in_dim3A_8 : i32 to vector<16xi32>
    %scan3A = arith.constant 0 : i32
    %scan3A_10 = arith.constant 128 : i32
    %scan3A_11 = arith.addi %scan3A, %scan3A_10 : i32
    %scan3A_12 = arith.constant 1 : i32
    %scan3A_13:16 = scf.for %scan3A_206 = %scan3A to %scan3A_11 step %scan3A_12 iter_args(%scan3A_207 = %broadcast_in_dim3A_7, %scan3A_208 = %broadcast_in_dim3A_7, %scan3A_209 = %broadcast_in_dim3A_7, %scan3A_210 = %broadcast_in_dim3A_7, %scan3A_211 = %broadcast_in_dim3A_7, %scan3A_212 = %broadcast_in_dim3A_7, %scan3A_213 = %broadcast_in_dim3A_7, %scan3A_214 = %broadcast_in_dim3A_7, %scan3A_215 = %broadcast_in_dim3A_9, %scan3A_216 = %broadcast_in_dim3A_9, %scan3A_217 = %broadcast_in_dim3A_9, %scan3A_218 = %broadcast_in_dim3A_9, %scan3A_219 = %broadcast_in_dim3A_9, %scan3A_220 = %broadcast_in_dim3A_9, %scan3A_221 = %broadcast_in_dim3A_9, %scan3A_222 = %broadcast_in_dim3A_9) -> (vector<16xf32>, vector<16xf32>, vector<16xf32>, vector<16xf32>, vector<16xf32>, vector<16xf32>, vector<16xf32>, vector<16xf32>, vector<16xi32>, vector<16xi32>, vector<16xi32>, vector<16xi32>, vector<16xi32>, vector<16xi32>, vector<16xi32>, vector<16xi32>)  : i32 {
      %mul3A_223 = arith.constant 16 : i32
      %mul3A_224 = arith.muli %scan3A_206, %mul3A_223 : i32
      %get3A = arith.index_cast %mul3A_224 : i32 to index
      %get3A_225 = tpu.vector_load %arg5[%get3A] {strides = array<i32>} : memref<2048xf32, #tpu.memory_space<vmem>>, vector<16xf32>,
      %broadcast_in_dim3A_226 = vector.broadcast %scan3A_206 : i32 to vector<16xi32>
      %gt3A = arith.cmpf ogt, %get3A_225, %scan3A_207 : vector<16xf32>
      %max3A_227 = arith.maximumf %scan3A_207, %get3A_225 : vector<16xf32>
      %min3A = arith.minimumf %scan3A_207, %get3A_225 : vector<16xf32>
      %select_n3A_228 = arith.select %gt3A, %broadcast_in_dim3A_226, %scan3A_215 : vector<16xi1>, vector<16xi32>
      %select_n3A_229 = arith.select %gt3A, %scan3A_215, %broadcast_in_dim3A_226 : vector<16xi1>, vector<16xi32>
      %gt3A_230 = arith.cmpf ogt, %min3A, %scan3A_208 : vector<16xf32>
      %max3A_231 = arith.maximumf %scan3A_208, %min3A : vector<16xf32>
      %min3A_232 = arith.minimumf %scan3A_208, %min3A : vector<16xf32>
      %select_n3A_233 = arith.select %gt3A_230, %select_n3A_229, %scan3A_216 : vector<16xi1>, vector<16xi32>
      %select_n3A_234 = arith.select %gt3A_230, %scan3A_216, %select_n3A_229 : vector<16xi1>, vector<16xi32>
      %gt3A_235 = arith.cmpf ogt, %min3A_232, %scan3A_209 : vector<16xf32>
      %max3A_236 = arith.maximumf %scan3A_209, %min3A_232 : vector<16xf32>
      %min3A_237 = arith.minimumf %scan3A_209, %min3A_232 : vector<16xf32>
      %select_n3A_238 = arith.select %gt3A_235, %select_n3A_234, %scan3A_217 : vector<16xi1>, vector<16xi32>
      %select_n3A_239 = arith.select %gt3A_235, %scan3A_217, %select_n3A_234 : vector<16xi1>, vector<16xi32>
      %gt3A_240 = arith.cmpf ogt, %min3A_237, %scan3A_210 : vector<16xf32>
      %max3A_241 = arith.maximumf %scan3A_210, %min3A_237 : vector<16xf32>
      %min3A_242 = arith.minimumf %scan3A_210, %min3A_237 : vector<16xf32>
      %select_n3A_243 = arith.select %gt3A_240, %select_n3A_239, %scan3A_218 : vector<16xi1>, vector<16xi32>
      %select_n3A_244 = arith.select %gt3A_240, %scan3A_218, %select_n3A_239 : vector<16xi1>, vector<16xi32>
      %gt3A_245 = arith.cmpf ogt, %min3A_242, %scan3A_211 : vector<16xf32>
      %max3A_246 = arith.maximumf %scan3A_211, %min3A_242 : vector<16xf32>
      %min3A_247 = arith.minimumf %scan3A_211, %min3A_242 : vector<16xf32>
      %select_n3A_248 = arith.select %gt3A_245, %select_n3A_244, %scan3A_219 : vector<16xi1>, vector<16xi32>
      %select_n3A_249 = arith.select %gt3A_245, %scan3A_219, %select_n3A_244 : vector<16xi1>, vector<16xi32>
      %gt3A_250 = arith.cmpf ogt, %min3A_247, %scan3A_212 : vector<16xf32>
      %max3A_251 = arith.maximumf %scan3A_212, %min3A_247 : vector<16xf32>
      %min3A_252 = arith.minimumf %scan3A_212, %min3A_247 : vector<16xf32>
      %select_n3A_253 = arith.select %gt3A_250, %select_n3A_249, %scan3A_220 : vector<16xi1>, vector<16xi32>
      %select_n3A_254 = arith.select %gt3A_250, %scan3A_220, %select_n3A_249 : vector<16xi1>, vector<16xi32>
      %gt3A_255 = arith.cmpf ogt, %min3A_252, %scan3A_213 : vector<16xf32>
      %max3A_256 = arith.maximumf %scan3A_213, %min3A_252 : vector<16xf32>
      %min3A_257 = arith.minimumf %scan3A_213, %min3A_252 : vector<16xf32>
      %select_n3A_258 = arith.select %gt3A_255, %select_n3A_254, %scan3A_221 : vector<16xi1>, vector<16xi32>
      %select_n3A_259 = arith.select %gt3A_255, %scan3A_221, %select_n3A_254 : vector<16xi1>, vector<16xi32>
      %gt3A_260 = arith.cmpf ogt, %min3A_257, %scan3A_214 : vector<16xf32>
      %max3A_261 = arith.maximumf %scan3A_214, %min3A_257 : vector<16xf32>
      %min3A_262 = arith.minimumf %scan3A_214, %min3A_257 : vector<16xf32>
      %select_n3A_263 = arith.select %gt3A_260, %select_n3A_259, %scan3A_222 : vector<16xi1>, vector<16xi32>
      %select_n3A_264 = arith.select %gt3A_260, %scan3A_222, %select_n3A_259 : vector<16xi1>, vector<16xi32>
      scf.yield %max3A_227, %max3A_231, %max3A_236, %max3A_241, %max3A_246, %max3A_251, %max3A_256, %max3A_261, %select_n3A_228, %select_n3A_233, %select_n3A_238, %select_n3A_243, %select_n3A_248, %select_n3A_253, %select_n3A_258, %select_n3A_263 : vector<16xf32>, vector<16xf32>, vector<16xf32>, vector<16xf32>, vector<16xf32>, vector<16xf32>, vector<16xf32>, vector<16xf32>, vector<16xi32>, vector<16xi32>, vector<16xi32>, vector<16xi32>, vector<16xi32>, vector<16xi32>, vector<16xi32>, vector<16xi32>
    }
    %scan3A_14 = arith.constant 128 : i32
    %iota3A = tpu.iota {dimensions = array<i32: 0>} : vector<16xi32>
    %mul3A_15 = arith.constant 16 : i32
    %mul3A_16 = vector.broadcast %mul3A_15 : i32 to vector<16xi32>
    %mul3A_17 = arith.muli %scan3A_13#8, %mul3A_16 : vector<16xi32>
    %add3A_18 = arith.addi %mul3A_17, %iota3A : vector<16xi32>
    %masked_sort3A = arith.constant dense<true> : vector<16xi1>
    %masked_sort3A_19, %masked_sort3A_20, %masked_sort3A_21 = tpu.sort %scan3A_13#0, %add3A_18 masked %masked_sort3A : (vector<16xf32>, vector<16xi32>, vector<16xi1>) -> (vector<16xi1>, vector<16xf32>, vector<16xi32>)
    %mul3A_22 = arith.constant 16 : i32
    %mul3A_23 = vector.broadcast %mul3A_22 : i32 to vector<16xi32>
    %mul3A_24 = arith.muli %scan3A_13#9, %mul3A_23 : vector<16xi32>
    %add3A_25 = arith.addi %mul3A_24, %iota3A : vector<16xi32>
    %masked_sort3A_26 = arith.constant dense<true> : vector<16xi1>
    %masked_sort3A_27, %masked_sort3A_28, %masked_sort3A_29 = tpu.sort %scan3A_13#1, %add3A_25 masked %masked_sort3A_26 : (vector<16xf32>, vector<16xi32>, vector<16xi1>) -> (vector<16xi1>, vector<16xf32>, vector<16xi32>)
    %mul3A_30 = arith.constant 16 : i32
    %mul3A_31 = vector.broadcast %mul3A_30 : i32 to vector<16xi32>
    %mul3A_32 = arith.muli %scan3A_13#10, %mul3A_31 : vector<16xi32>
    %add3A_33 = arith.addi %mul3A_32, %iota3A : vector<16xi32>
    %masked_sort3A_34 = arith.constant dense<true> : vector<16xi1>
    %masked_sort3A_35, %masked_sort3A_36, %masked_sort3A_37 = tpu.sort %scan3A_13#2, %add3A_33 masked %masked_sort3A_34 : (vector<16xf32>, vector<16xi32>, vector<16xi1>) -> (vector<16xi1>, vector<16xf32>, vector<16xi32>)
    %mul3A_38 = arith.constant 16 : i32
    %mul3A_39 = vector.broadcast %mul3A_38 : i32 to vector<16xi32>
    %mul3A_40 = arith.muli %scan3A_13#11, %mul3A_39 : vector<16xi32>
    %add3A_41 = arith.addi %mul3A_40, %iota3A : vector<16xi32>
    %masked_sort3A_42 = arith.constant dense<true> : vector<16xi1>
    %masked_sort3A_43, %masked_sort3A_44, %masked_sort3A_45 = tpu.sort %scan3A_13#3, %add3A_41 masked %masked_sort3A_42 : (vector<16xf32>, vector<16xi32>, vector<16xi1>) -> (vector<16xi1>, vector<16xf32>, vector<16xi32>)
    %mul3A_46 = arith.constant 16 : i32
    %mul3A_47 = vector.broadcast %mul3A_46 : i32 to vector<16xi32>
    %mul3A_48 = arith.muli %scan3A_13#12, %mul3A_47 : vector<16xi32>
    %add3A_49 = arith.addi %mul3A_48, %iota3A : vector<16xi32>
    %masked_sort3A_50 = arith.constant dense<true> : vector<16xi1>
    %masked_sort3A_51, %masked_sort3A_52, %masked_sort3A_53 = tpu.sort %scan3A_13#4, %add3A_49 masked %masked_sort3A_50 : (vector<16xf32>, vector<16xi32>, vector<16xi1>) -> (vector<16xi1>, vector<16xf32>, vector<16xi32>)
    %mul3A_54 = arith.constant 16 : i32
    %mul3A_55 = vector.broadcast %mul3A_54 : i32 to vector<16xi32>
    %mul3A_56 = arith.muli %scan3A_13#13, %mul3A_55 : vector<16xi32>
    %add3A_57 = arith.addi %mul3A_56, %iota3A : vector<16xi32>
    %masked_sort3A_58 = arith.constant dense<true> : vector<16xi1>
    %masked_sort3A_59, %masked_sort3A_60, %masked_sort3A_61 = tpu.sort %scan3A_13#5, %add3A_57 masked %masked_sort3A_58 : (vector<16xf32>, vector<16xi32>, vector<16xi1>) -> (vector<16xi1>, vector<16xf32>, vector<16xi32>)
    %mul3A_62 = arith.constant 16 : i32
    %mul3A_63 = vector.broadcast %mul3A_62 : i32 to vector<16xi32>
    %mul3A_64 = arith.muli %scan3A_13#14, %mul3A_63 : vector<16xi32>
    %add3A_65 = arith.addi %mul3A_64, %iota3A : vector<16xi32>
    %masked_sort3A_66 = arith.constant dense<true> : vector<16xi1>
    %masked_sort3A_67, %masked_sort3A_68, %masked_sort3A_69 = tpu.sort %scan3A_13#6, %add3A_65 masked %masked_sort3A_66 : (vector<16xf32>, vector<16xi32>, vector<16xi1>) -> (vector<16xi1>, vector<16xf32>, vector<16xi32>)
    %mul3A_70 = arith.constant 16 : i32
    %mul3A_71 = vector.broadcast %mul3A_70 : i32 to vector<16xi32>
    %mul3A_72 = arith.muli %scan3A_13#15, %mul3A_71 : vector<16xi32>
    %add3A_73 = arith.addi %mul3A_72, %iota3A : vector<16xi32>
    %masked_sort3A_74 = arith.constant dense<true> : vector<16xi1>
    %masked_sort3A_75, %masked_sort3A_76, %masked_sort3A_77 = tpu.sort %scan3A_13#7, %add3A_73 masked %masked_sort3A_74 : (vector<16xf32>, vector<16xi32>, vector<16xi1>) -> (vector<16xi1>, vector<16xf32>, vector<16xi32>)
    %rev3A = arith.constant 15 : i32
    %rev3A_78 = vector.broadcast %rev3A : i32 to vector<16xi32>
    %rev3A_79 = tpu.iota {dimensions = array<i32: 0>} : vector<16xi32>
    %rev3A_80 = arith.subi %rev3A_78, %rev3A_79 : vector<16xi32>
    %rev3A_81 = tpu.dynamic_gather %masked_sort3A_28[%rev3A_80] in [0] : vector<16xf32>, vector<16xi32> -> vector<16xf32>
    %rev3A_82 = arith.constant 15 : i32
    %rev3A_83 = vector.broadcast %rev3A_82 : i32 to vector<16xi32>
    %rev3A_84 = tpu.iota {dimensions = array<i32: 0>} : vector<16xi32>
    %rev3A_85 = arith.subi %rev3A_83, %rev3A_84 : vector<16xi32>
    %rev3A_86 = tpu.dynamic_gather %masked_sort3A_29[%rev3A_85] in [0] : vector<16xi32>, vector<16xi32> -> vector<16xi32>
    %ge3A = arith.cmpf oge, %masked_sort3A_20, %rev3A_81 : vector<16xf32>
    %max3A = arith.maximumf %masked_sort3A_20, %rev3A_81 : vector<16xf32>
    %select_n3A = arith.select %ge3A, %masked_sort3A_21, %rev3A_86 : vector<16xi1>, vector<16xi32>
    %masked_sort3A_87 = arith.constant dense<true> : vector<16xi1>
    %masked_sort3A_88, %masked_sort3A_89, %masked_sort3A_90 = tpu.sort %max3A, %select_n3A masked %masked_sort3A_87 : (vector<16xf32>, vector<16xi32>, vector<16xi1>) -> (vector<16xi1>, vector<16xf32>, vector<16xi32>)
    %rev3A_91 = arith.constant 15 : i32
    %rev3A_92 = vector.broadcast %rev3A_91 : i32 to vector<16xi32>
    %rev3A_93 = tpu.iota {dimensions = array<i32: 0>} : vector<16xi32>
    %rev3A_94 = arith.subi %rev3A_92, %rev3A_93 : vector<16xi32>
    %rev3A_95 = tpu.dynamic_gather %masked_sort3A_44[%rev3A_94] in [0] : vector<16xf32>, vector<16xi32> -> vector<16xf32>
    %rev3A_96 = arith.constant 15 : i32
    %rev3A_97 = vector.broadcast %rev3A_96 : i32 to vector<16xi32>
    %rev3A_98 = tpu.iota {dimensions = array<i32: 0>} : vector<16xi32>
    %rev3A_99 = arith.subi %rev3A_97, %rev3A_98 : vector<16xi32>
    %rev3A_100 = tpu.dynamic_gather %masked_sort3A_45[%rev3A_99] in [0] : vector<16xi32>, vector<16xi32> -> vector<16xi32>
    %ge3A_101 = arith.cmpf oge, %masked_sort3A_36, %rev3A_95 : vector<16xf32>
    %max3A_102 = arith.maximumf %masked_sort3A_36, %rev3A_95 : vector<16xf32>
    %select_n3A_103 = arith.select %ge3A_101, %masked_sort3A_37, %rev3A_100 : vector<16xi1>, vector<16xi32>
    %masked_sort3A_104 = arith.constant dense<true> : vector<16xi1>
    %masked_sort3A_105, %masked_sort3A_106, %masked_sort3A_107 = tpu.sort %max3A_102, %select_n3A_103 masked %masked_sort3A_104 : (vector<16xf32>, vector<16xi32>, vector<16xi1>) -> (vector<16xi1>, vector<16xf32>, vector<16xi32>)
    %rev3A_108 = arith.constant 15 : i32
    %rev3A_109 = vector.broadcast %rev3A_108 : i32 to vector<16xi32>
    %rev3A_110 = tpu.iota {dimensions = array<i32: 0>} : vector<16xi32>
    %rev3A_111 = arith.subi %rev3A_109, %rev3A_110 : vector<16xi32>
    %rev3A_112 = tpu.dynamic_gather %masked_sort3A_60[%rev3A_111] in [0] : vector<16xf32>, vector<16xi32> -> vector<16xf32>
    %rev3A_113 = arith.constant 15 : i32
    %rev3A_114 = vector.broadcast %rev3A_113 : i32 to vector<16xi32>
    %rev3A_115 = tpu.iota {dimensions = array<i32: 0>} : vector<16xi32>
    %rev3A_116 = arith.subi %rev3A_114, %rev3A_115 : vector<16xi32>
    %rev3A_117 = tpu.dynamic_gather %masked_sort3A_61[%rev3A_116] in [0] : vector<16xi32>, vector<16xi32> -> vector<16xi32>
    %ge3A_118 = arith.cmpf oge, %masked_sort3A_52, %rev3A_112 : vector<16xf32>
    %max3A_119 = arith.maximumf %masked_sort3A_52, %rev3A_112 : vector<16xf32>
    %select_n3A_120 = arith.select %ge3A_118, %masked_sort3A_53, %rev3A_117 : vector<16xi1>, vector<16xi32>
    %masked_sort3A_121 = arith.constant dense<true> : vector<16xi1>
    %masked_sort3A_122, %masked_sort3A_123, %masked_sort3A_124 = tpu.sort %max3A_119, %select_n3A_120 masked %masked_sort3A_121 : (vector<16xf32>, vector<16xi32>, vector<16xi1>) -> (vector<16xi1>, vector<16xf32>, vector<16xi32>)
    %rev3A_125 = arith.constant 15 : i32
    %rev3A_126 = vector.broadcast %rev3A_125 : i32 to vector<16xi32>
    %rev3A_127 = tpu.iota {dimensions = array<i32: 0>} : vector<16xi32>
    %rev3A_128 = arith.subi %rev3A_126, %rev3A_127 : vector<16xi32>
    %rev3A_129 = tpu.dynamic_gather %masked_sort3A_76[%rev3A_128] in [0] : vector<16xf32>, vector<16xi32> -> vector<16xf32>
    %rev3A_130 = arith.constant 15 : i32
    %rev3A_131 = vector.broadcast %rev3A_130 : i32 to vector<16xi32>
    %rev3A_132 = tpu.iota {dimensions = array<i32: 0>} : vector<16xi32>
    %rev3A_133 = arith.subi %rev3A_131, %rev3A_132 : vector<16xi32>
    %rev3A_134 = tpu.dynamic_gather %masked_sort3A_77[%rev3A_133] in [0] : vector<16xi32>, vector<16xi32> -> vector<16xi32>
    %ge3A_135 = arith.cmpf oge, %masked_sort3A_68, %rev3A_129 : vector<16xf32>
    %max3A_136 = arith.maximumf %masked_sort3A_68, %rev3A_129 : vector<16xf32>
    %select_n3A_137 = arith.select %ge3A_135, %masked_sort3A_69, %rev3A_134 : vector<16xi1>, vector<16xi32>
    %masked_sort3A_138 = arith.constant dense<true> : vector<16xi1>
    %masked_sort3A_139, %masked_sort3A_140, %masked_sort3A_141 = tpu.sort %max3A_136, %select_n3A_137 masked %masked_sort3A_138 : (vector<16xf32>, vector<16xi32>, vector<16xi1>) -> (vector<16xi1>, vector<16xf32>, vector<16xi32>)
    %rev3A_142 = arith.constant 15 : i32
    %rev3A_143 = vector.broadcast %rev3A_142 : i32 to vector<16xi32>
    %rev3A_144 = tpu.iota {dimensions = array<i32: 0>} : vector<16xi32>
    %rev3A_145 = arith.subi %rev3A_143, %rev3A_144 : vector<16xi32>
    %rev3A_146 = tpu.dynamic_gather %masked_sort3A_106[%rev3A_145] in [0] : vector<16xf32>, vector<16xi32> -> vector<16xf32>
    %rev3A_147 = arith.constant 15 : i32
    %rev3A_148 = vector.broadcast %rev3A_147 : i32 to vector<16xi32>
    %rev3A_149 = tpu.iota {dimensions = array<i32: 0>} : vector<16xi32>
    %rev3A_150 = arith.subi %rev3A_148, %rev3A_149 : vector<16xi32>
    %rev3A_151 = tpu.dynamic_gather %masked_sort3A_107[%rev3A_150] in [0] : vector<16xi32>, vector<16xi32> -> vector<16xi32>
    %ge3A_152 = arith.cmpf oge, %masked_sort3A_89, %rev3A_146 : vector<16xf32>
    %max3A_153 = arith.maximumf %masked_sort3A_89, %rev3A_146 : vector<16xf32>
    %select_n3A_154 = arith.select %ge3A_152, %masked_sort3A_90, %rev3A_151 : vector<16xi1>, vector<16xi32>
    %masked_sort3A_155 = arith.constant dense<true> : vector<16xi1>
    %masked_sort3A_156, %masked_sort3A_157, %masked_sort3A_158 = tpu.sort %max3A_153, %select_n3A_154 masked %masked_sort3A_155 : (vector<16xf32>, vector<16xi32>, vector<16xi1>) -> (vector<16xi1>, vector<16xf32>, vector<16xi32>)
    %rev3A_159 = arith.constant 15 : i32
    %rev3A_160 = vector.broadcast %rev3A_159 : i32 to vector<16xi32>
    %rev3A_161 = tpu.iota {dimensions = array<i32: 0>} : vector<16xi32>
    %rev3A_162 = arith.subi %rev3A_160, %rev3A_161 : vector<16xi32>
    %rev3A_163 = tpu.dynamic_gather %masked_sort3A_140[%rev3A_162] in [0] : vector<16xf32>, vector<16xi32> -> vector<16xf32>
    %rev3A_164 = arith.constant 15 : i32
    %rev3A_165 = vector.broadcast %rev3A_164 : i32 to vector<16xi32>
    %rev3A_166 = tpu.iota {dimensions = array<i32: 0>} : vector<16xi32>
    %rev3A_167 = arith.subi %rev3A_165, %rev3A_166 : vector<16xi32>
    %rev3A_168 = tpu.dynamic_gather %masked_sort3A_141[%rev3A_167] in [0] : vector<16xi32>, vector<16xi32> -> vector<16xi32>
    %ge3A_169 = arith.cmpf oge, %masked_sort3A_123, %rev3A_163 : vector<16xf32>
    %max3A_170 = arith.maximumf %masked_sort3A_123, %rev3A_163 : vector<16xf32>
    %select_n3A_171 = arith.select %ge3A_169, %masked_sort3A_124, %rev3A_168 : vector<16xi1>, vector<16xi32>
    %masked_sort3A_172 = arith.constant dense<true> : vector<16xi1>
    %masked_sort3A_173, %masked_sort3A_174, %masked_sort3A_175 = tpu.sort %max3A_170, %select_n3A_171 masked %masked_sort3A_172 : (vector<16xf32>, vector<16xi32>, vector<16xi1>) -> (vector<16xi1>, vector<16xf32>, vector<16xi32>)
    %rev3A_176 = arith.constant 15 : i32
    %rev3A_177 = vector.broadcast %rev3A_176 : i32 to vector<16xi32>
    %rev3A_178 = tpu.iota {dimensions = array<i32: 0>} : vector<16xi32>
    %rev3A_179 = arith.subi %rev3A_177, %rev3A_178 : vector<16xi32>
    %rev3A_180 = tpu.dynamic_gather %masked_sort3A_174[%rev3A_179] in [0] : vector<16xf32>, vector<16xi32> -> vector<16xf32>
    %rev3A_181 = arith.constant 15 : i32
    %rev3A_182 = vector.broadcast %rev3A_181 : i32 to vector<16xi32>
    %rev3A_183 = tpu.iota {dimensions = array<i32: 0>} : vector<16xi32>
    %rev3A_184 = arith.subi %rev3A_182, %rev3A_183 : vector<16xi32>
    %rev3A_185 = tpu.dynamic_gather %masked_sort3A_175[%rev3A_184] in [0] : vector<16xi32>, vector<16xi32> -> vector<16xi32>
    %ge3A_186 = arith.cmpf oge, %masked_sort3A_157, %rev3A_180 : vector<16xf32>
    %max3A_187 = arith.maximumf %masked_sort3A_157, %rev3A_180 : vector<16xf32>
    %select_n3A_188 = arith.select %ge3A_186, %masked_sort3A_158, %rev3A_185 : vector<16xi1>, vector<16xi32>
    %masked_sort3A_189 = arith.constant dense<true> : vector<16xi1>
    %masked_sort3A_190, %masked_sort3A_191, %masked_sort3A_192 = tpu.sort %max3A_187, %select_n3A_188 masked %masked_sort3A_189 : (vector<16xf32>, vector<16xi32>, vector<16xi1>) -> (vector<16xi1>, vector<16xf32>, vector<16xi32>)
    %add3A_193 = arith.constant 0 : i32
    %add3A_194 = arith.addi %add3A_193, %add3A_4 : i32
    %mul3A_195 = arith.constant 2048 : i32
    %mul3A_196 = arith.muli %add3A_194, %mul3A_195 : i32
    %add3A_197 = vector.broadcast %mul3A_196 : i32 to vector<16xi32>
    %add3A_198 = arith.addi %masked_sort3A_192, %add3A_197 : vector<16xi32>
    %swap3A = arith.constant 0 : index
    %swap3A_199 = tpu.vector_load %arg6[%swap3A] {strides = array<i32>} : memref<16xi32, #tpu.memory_space<vmem>>, vector<16xi32>,
    tpu.vector_store %arg6[%swap3A], %add3A_198 {strides = array<i32>} : memref<16xi32, #tpu.memory_space<vmem>>, vector<16xi32>,
    %dma_start3A = arith.constant 0 : i32
    %dma_start3A_200 = arith.constant 0 : i32
    %dma_start3A_201 = tpu.memref_slice %arg3[%dma_start3A, %dma_start3A_200] : memref<131072x128xf32, #tpu.memory_space<hbm>> -> memref<131072x128xf32, #tpu.memory_space<hbm>>
    tpu.enqueue_indirect_dma source(%dma_start3A_201 : memref<131072x128xf32, #tpu.memory_space<hbm>>) target(%arg7 : memref<16x128xf32, #tpu.memory_space<vmem>>) offsets(%arg6 : memref<16xi32, #tpu.memory_space<vmem>>) semaphore(%arg8 : memref<!tpu.dma_semaphore, #tpu.memory_space<semaphore_mem>>)
    %dma_wait3A = arith.constant 0 : i32
    %dma_wait3A_202 = arith.constant 0 : i32
    %dma_wait3A_203 = tpu.memref_slice %arg3[%dma_wait3A, %dma_wait3A_202] : memref<131072x128xf32, #tpu.memory_space<hbm>> -> memref<131072x128xf32, #tpu.memory_space<hbm>>
    tpu.wait_indirect_dma semaphore(%arg8 : memref<!tpu.dma_semaphore, #tpu.memory_space<semaphore_mem>>) src(%dma_wait3A_203 : memref<131072x128xf32, #tpu.memory_space<hbm>>) dst(%arg7 : memref<16x128xf32, #tpu.memory_space<vmem>>)
    %mul3A_204 = arith.constant 16 : i32
    %mul3A_205 = arith.muli %add3A_4, %mul3A_204 : i32
    "tpu.region"() ({
      %run_scoped3A = tpu.sem_alloc : memref<!tpu.dma_semaphore, #tpu.memory_space<semaphore_mem>>
      %dma_start3A_206 = arith.constant 0 : i32
      %dma_start3A_207 = tpu.memref_slice %arg4[%mul3A_205, %dma_start3A_206] : memref<512x128xf32, #tpu.memory_space<hbm>> -> memref<16x128xf32, #tpu.memory_space<hbm>>
      %dma_start3A_208 = arith.constant 0 : i32
      %dma_start3A_209 = tpu.memref_slice %arg4[%mul3A_205, %dma_start3A_208] : memref<512x128xf32, #tpu.memory_space<hbm>> -> memref<16x128xf32, #tpu.memory_space<hbm>>
      tpu.enqueue_dma source(%arg7 : memref<16x128xf32, #tpu.memory_space<vmem>>) target(%dma_start3A_209 : memref<16x128xf32, #tpu.memory_space<hbm>>) target_semaphore(%run_scoped3A : memref<!tpu.dma_semaphore, #tpu.memory_space<semaphore_mem>>)
      %dma_wait3A_210 = arith.constant 0 : i32
      %dma_wait3A_211 = tpu.memref_slice %arg4[%mul3A_205, %dma_wait3A_210] : memref<512x128xf32, #tpu.memory_space<hbm>> -> memref<16x128xf32, #tpu.memory_space<hbm>>
      %dma_wait3A_212 = arith.constant 0 : i32
      %dma_wait3A_213 = tpu.memref_slice %arg4[%mul3A_205, %dma_wait3A_212] : memref<512x128xf32, #tpu.memory_space<hbm>> -> memref<16x128xf32, #tpu.memory_space<hbm>>
      tpu.wait_dma2 semaphore(%run_scoped3A : memref<!tpu.dma_semaphore, #tpu.memory_space<semaphore_mem>>) src(%arg7 : memref<16x128xf32, #tpu.memory_space<vmem>>) dst(%dma_wait3A_213 : memref<16x128xf32, #tpu.memory_space<hbm>>)
      tpu.yield
    }) : () -> ()
    return
  }
}

module attributes {stable_mosaic.version = 14 : i64} {
  func.func @_score_body(%arg0: i32, %arg1: memref<1x8192x128xf32, #tpu.memory_space<vmem>>, %arg2: memref<8192xf32, #tpu.memory_space<vmem>>, %arg3: memref<16x128xbf16, #tpu.memory_space<vmem>>, %arg4: memref<128x1xf32, #tpu.memory_space<vmem>>, %arg5: memref<128x1xf32, #tpu.memory_space<vmem>>, %arg6: memref<16x1xf32, #tpu.memory_space<vmem>>, %arg7: memref<8192xf32, #tpu.memory_space<vmem>>) attributes {dimension_semantics = [#tpu.dimension_semantics<arbitrary>], iteration_bounds = array<i64: 8>, scalar_prefetch = 0 : i64, scratch_operands = 0 : i64, tpu.core_type = #tpu.core_type<tc>, window_params = [{transform_indices = @transform_0, window_bounds = array<i64: 1, 8192, 128>}, {transform_indices = @transform_1, window_bounds = array<i64: 8192>}, {pipeline_mode = #tpu.pipeline_mode<synchronous>, transform_indices = @transform_2, window_bounds = array<i64: 16, 128>}, {pipeline_mode = #tpu.pipeline_mode<synchronous>, transform_indices = @transform_3, window_bounds = array<i64: 128, 1>}, {pipeline_mode = #tpu.pipeline_mode<synchronous>, transform_indices = @transform_4, window_bounds = array<i64: 128, 1>}, {pipeline_mode = #tpu.pipeline_mode<synchronous>, transform_indices = @transform_5, window_bounds = array<i64: 16, 1>}, {transform_indices = @transform_6, window_bounds = array<i64: 8192>}]} {
    %get3A = arith.constant 0 : index
    %get3A_0 = arith.constant 0 : index
    %get3A_1 = arith.constant 0 : index
    %get3A_2 = vector.load %arg1[%get3A, %get3A_0, %get3A_1] : memref<1x8192x128xf32, #tpu.memory_space<vmem>>, vector<1x8192x128xf32>
    %get3A_3 = vector.shape_cast %get3A_2 : vector<1x8192x128xf32> to vector<8192x128xf32>
    %transpose3A = tpu.transpose %get3A_3, [1, 0] : vector<8192x128xf32> -> vector<128x8192xf32>
    %reduce_sum3A = arith.constant dense<0.000000e+00> : vector<8192xf32>
    %reduce_sum3A_4 = vector.multi_reduction <add>, %transpose3A, %reduce_sum3A [0] : vector<128x8192xf32> to vector<8192xf32>
    %broadcast_in_dim3A = vector.shape_cast %reduce_sum3A_4 : vector<8192xf32> to vector<1x8192xf32>
    %mul3A = arith.constant 7.812500e-03 : f32
    %mul3A_5 = vector.broadcast %mul3A : f32 to vector<1x8192xf32>
    %mul3A_6 = arith.mulf %broadcast_in_dim3A, %mul3A_5 : vector<1x8192xf32>
    %sub3A = vector.broadcast %mul3A_6 : vector<1x8192xf32> to vector<128x8192xf32>
    %sub3A_7 = arith.subf %transpose3A, %sub3A : vector<128x8192xf32>
    %mul3A_8 = arith.mulf %sub3A_7, %sub3A_7 : vector<128x8192xf32>
    %reduce_sum3A_9 = arith.constant dense<0.000000e+00> : vector<8192xf32>
    %reduce_sum3A_10 = vector.multi_reduction <add>, %mul3A_8, %reduce_sum3A_9 [0] : vector<128x8192xf32> to vector<8192xf32>
    %broadcast_in_dim3A_11 = vector.shape_cast %reduce_sum3A_10 : vector<8192xf32> to vector<1x8192xf32>
    %mul3A_12 = arith.constant 7.812500e-03 : f32
    %mul3A_13 = vector.broadcast %mul3A_12 : f32 to vector<1x8192xf32>
    %mul3A_14 = arith.mulf %broadcast_in_dim3A_11, %mul3A_13 : vector<1x8192xf32>
    %add3A = arith.constant 9.99999974E-6 : f32
    %add3A_15 = vector.broadcast %add3A : f32 to vector<1x8192xf32>
    %add3A_16 = arith.addf %mul3A_14, %add3A_15 : vector<1x8192xf32>
    %sqrt3A = math.sqrt %add3A_16 : vector<1x8192xf32>
    %div3A = vector.broadcast %sqrt3A : vector<1x8192xf32> to vector<128x8192xf32>
    %div3A_17 = arith.divf %sub3A_7, %div3A : vector<128x8192xf32>
    %get3A_18 = arith.constant 0 : index
    %get3A_19 = arith.constant 0 : index
    %get3A_20 = vector.load %arg4[%get3A_18, %get3A_19] : memref<128x1xf32, #tpu.memory_space<vmem>>, vector<128x1xf32>
    %mul3A_21 = vector.broadcast %get3A_20 : vector<128x1xf32> to vector<128x8192xf32>
    %mul3A_22 = arith.mulf %div3A_17, %mul3A_21 : vector<128x8192xf32>
    %get3A_23 = arith.constant 0 : index
    %get3A_24 = arith.constant 0 : index
    %get3A_25 = vector.load %arg5[%get3A_23, %get3A_24] : memref<128x1xf32, #tpu.memory_space<vmem>>, vector<128x1xf32>
    %add3A_26 = vector.broadcast %get3A_25 : vector<128x1xf32> to vector<128x8192xf32>
    %add3A_27 = arith.addf %mul3A_22, %add3A_26 : vector<128x8192xf32>
    %convert_element_type3A = arith.truncf %add3A_27 : vector<128x8192xf32> to vector<128x8192xbf16>
    %get3A_28 = arith.constant 0 : index
    %get3A_29 = arith.constant 0 : index
    %get3A_30 = vector.load %arg3[%get3A_28, %get3A_29] : memref<16x128xbf16, #tpu.memory_space<vmem>>, vector<16x128xbf16>
    %dot_general3A = arith.constant dense<0.000000e+00> : vector<16x8192xf32>
    %dot_general3A_31 = tpu.matmul %get3A_30, %convert_element_type3A, %dot_general3A {dimension_numbers = #tpu.dot_dimension_numbers<[1], [0], [0], [1], [0, 0, 1, 1], [], []>, transpose_lhs_hint = false} : vector<16x128xbf16>, vector<128x8192xbf16>, vector<16x8192xf32> -> vector<16x8192xf32>
    %get3A_32 = arith.constant 0 : index
    %get3A_33 = arith.constant 0 : index
    %get3A_34 = vector.load %arg6[%get3A_32, %get3A_33] : memref<16x1xf32, #tpu.memory_space<vmem>>, vector<16x1xf32>
    %add3A_35 = vector.broadcast %get3A_34 : vector<16x1xf32> to vector<16x8192xf32>
    %add3A_36 = arith.addf %dot_general3A_31, %add3A_35 : vector<16x8192xf32>
    %reduce_max3A = arith.constant dense<0xFF800000> : vector<8192xf32>
    %reduce_max3A_37 = vector.multi_reduction <maximumf>, %add3A_36, %reduce_max3A [0] : vector<16x8192xf32> to vector<8192xf32>
    %get3A_38 = arith.constant 0 : index
    %get3A_39 = vector.load %arg2[%get3A_38] : memref<8192xf32, #tpu.memory_space<vmem>>, vector<8192xf32>
    %ne3A = arith.constant 0.000000e+00 : f32
    %ne3A_40 = vector.broadcast %ne3A : f32 to vector<8192xf32>
    %ne3A_41 = arith.cmpf one, %get3A_39, %ne3A_40 : vector<8192xf32>
    %jit3A = arith.constant 0xFF800000 : f32
    %broadcast_in_dim3A_42 = vector.broadcast %jit3A : f32 to vector<8192xf32>
    %select_n3A = arith.select %ne3A_41, %reduce_max3A_37, %broadcast_in_dim3A_42 : vector<8192xi1>, vector<8192xf32>
    %swap3A = arith.constant 0 : index
    %swap3A_43 = vector.load %arg7[%swap3A] : memref<8192xf32, #tpu.memory_space<vmem>>, vector<8192xf32>
    tpu.vector_store %arg7[%swap3A], %select_n3A {strides = array<i32>} : memref<8192xf32, #tpu.memory_space<vmem>>, vector<8192xf32>,
    return
  }
  func.func @transform_0(%arg0: i32) -> (i32, i32, i32) {
    %add3A = arith.constant 8 : i32
    %add3A_0 = arith.addi %add3A, %arg0 : i32
    %c0_i32 = arith.constant 0 : i32
    %c0_i32_1 = arith.constant 0 : i32
    %c0_i32_2 = arith.constant 0 : i32
    return %add3A_0, %c0_i32, %c0_i32_1 : i32, i32, i32
  }
  func.func @transform_1(%arg0: i32) -> i32 {
    %add3A = arith.constant 8 : i32
    %add3A_0 = arith.addi %add3A, %arg0 : i32
    %c0_i32 = arith.constant 0 : i32
    return %add3A_0 : i32
  }
  func.func @transform_2(%arg0: i32) -> (i32, i32) {
    %c0_i32 = arith.constant 0 : i32
    %c0_i32_0 = arith.constant 0 : i32
    %c0_i32_1 = arith.constant 0 : i32
    return %c0_i32, %c0_i32_0 : i32, i32
  }
  func.func @transform_3(%arg0: i32) -> (i32, i32) {
    %c0_i32 = arith.constant 0 : i32
    %c0_i32_0 = arith.constant 0 : i32
    %c0_i32_1 = arith.constant 0 : i32
    return %c0_i32, %c0_i32_0 : i32, i32
  }
  func.func @transform_4(%arg0: i32) -> (i32, i32) {
    %c0_i32 = arith.constant 0 : i32
    %c0_i32_0 = arith.constant 0 : i32
    %c0_i32_1 = arith.constant 0 : i32
    return %c0_i32, %c0_i32_0 : i32, i32
  }
  func.func @transform_5(%arg0: i32) -> (i32, i32) {
    %c0_i32 = arith.constant 0 : i32
    %c0_i32_0 = arith.constant 0 : i32
    %c0_i32_1 = arith.constant 0 : i32
    return %c0_i32, %c0_i32_0 : i32, i32
  }
  func.func @transform_6(%arg0: i32) -> i32 {
    %c0_i32 = arith.constant 0 : i32
    return %arg0 : i32
  }
}

module attributes {stable_mosaic.version = 14 : i64} {
  func.func @_score_body(%arg0: i32, %arg1: memref<1x8192x128xf32, #tpu.memory_space<vmem>>, %arg2: memref<8192xf32, #tpu.memory_space<vmem>>, %arg3: memref<16x128xbf16, #tpu.memory_space<vmem>>, %arg4: memref<128x1xf32, #tpu.memory_space<vmem>>, %arg5: memref<128x1xf32, #tpu.memory_space<vmem>>, %arg6: memref<16x1xf32, #tpu.memory_space<vmem>>, %arg7: memref<8192xf32, #tpu.memory_space<vmem>>) attributes {dimension_semantics = [#tpu.dimension_semantics<arbitrary>], iteration_bounds = array<i64: 8>, scalar_prefetch = 0 : i64, scratch_operands = 0 : i64, tpu.core_type = #tpu.core_type<tc>, window_params = [{transform_indices = @transform_0, window_bounds = array<i64: 1, 8192, 128>}, {transform_indices = @transform_1, window_bounds = array<i64: 8192>}, {pipeline_mode = #tpu.pipeline_mode<synchronous>, transform_indices = @transform_2, window_bounds = array<i64: 16, 128>}, {pipeline_mode = #tpu.pipeline_mode<synchronous>, transform_indices = @transform_3, window_bounds = array<i64: 128, 1>}, {pipeline_mode = #tpu.pipeline_mode<synchronous>, transform_indices = @transform_4, window_bounds = array<i64: 128, 1>}, {pipeline_mode = #tpu.pipeline_mode<synchronous>, transform_indices = @transform_5, window_bounds = array<i64: 16, 1>}, {transform_indices = @transform_6, window_bounds = array<i64: 8192>}]} {
    %get3A = arith.constant 0 : index
    %get3A_0 = arith.constant 0 : index
    %get3A_1 = arith.constant 0 : index
    %get3A_2 = vector.load %arg1[%get3A, %get3A_0, %get3A_1] : memref<1x8192x128xf32, #tpu.memory_space<vmem>>, vector<1x8192x128xf32>
    %get3A_3 = vector.shape_cast %get3A_2 : vector<1x8192x128xf32> to vector<8192x128xf32>
    %transpose3A = tpu.transpose %get3A_3, [1, 0] : vector<8192x128xf32> -> vector<128x8192xf32>
    %reduce_sum3A = arith.constant dense<0.000000e+00> : vector<8192xf32>
    %reduce_sum3A_4 = vector.multi_reduction <add>, %transpose3A, %reduce_sum3A [0] : vector<128x8192xf32> to vector<8192xf32>
    %broadcast_in_dim3A = vector.shape_cast %reduce_sum3A_4 : vector<8192xf32> to vector<1x8192xf32>
    %mul3A = arith.constant 7.812500e-03 : f32
    %mul3A_5 = vector.broadcast %mul3A : f32 to vector<1x8192xf32>
    %mul3A_6 = arith.mulf %broadcast_in_dim3A, %mul3A_5 : vector<1x8192xf32>
    %sub3A = vector.broadcast %mul3A_6 : vector<1x8192xf32> to vector<128x8192xf32>
    %sub3A_7 = arith.subf %transpose3A, %sub3A : vector<128x8192xf32>
    %mul3A_8 = arith.mulf %sub3A_7, %sub3A_7 : vector<128x8192xf32>
    %reduce_sum3A_9 = arith.constant dense<0.000000e+00> : vector<8192xf32>
    %reduce_sum3A_10 = vector.multi_reduction <add>, %mul3A_8, %reduce_sum3A_9 [0] : vector<128x8192xf32> to vector<8192xf32>
    %broadcast_in_dim3A_11 = vector.shape_cast %reduce_sum3A_10 : vector<8192xf32> to vector<1x8192xf32>
    %mul3A_12 = arith.constant 7.812500e-03 : f32
    %mul3A_13 = vector.broadcast %mul3A_12 : f32 to vector<1x8192xf32>
    %mul3A_14 = arith.mulf %broadcast_in_dim3A_11, %mul3A_13 : vector<1x8192xf32>
    %add3A = arith.constant 9.99999974E-6 : f32
    %add3A_15 = vector.broadcast %add3A : f32 to vector<1x8192xf32>
    %add3A_16 = arith.addf %mul3A_14, %add3A_15 : vector<1x8192xf32>
    %sqrt3A = math.sqrt %add3A_16 : vector<1x8192xf32>
    %div3A = vector.broadcast %sqrt3A : vector<1x8192xf32> to vector<128x8192xf32>
    %div3A_17 = arith.divf %sub3A_7, %div3A : vector<128x8192xf32>
    %get3A_18 = arith.constant 0 : index
    %get3A_19 = arith.constant 0 : index
    %get3A_20 = vector.load %arg4[%get3A_18, %get3A_19] : memref<128x1xf32, #tpu.memory_space<vmem>>, vector<128x1xf32>
    %mul3A_21 = vector.broadcast %get3A_20 : vector<128x1xf32> to vector<128x8192xf32>
    %mul3A_22 = arith.mulf %div3A_17, %mul3A_21 : vector<128x8192xf32>
    %get3A_23 = arith.constant 0 : index
    %get3A_24 = arith.constant 0 : index
    %get3A_25 = vector.load %arg5[%get3A_23, %get3A_24] : memref<128x1xf32, #tpu.memory_space<vmem>>, vector<128x1xf32>
    %add3A_26 = vector.broadcast %get3A_25 : vector<128x1xf32> to vector<128x8192xf32>
    %add3A_27 = arith.addf %mul3A_22, %add3A_26 : vector<128x8192xf32>
    %convert_element_type3A = arith.truncf %add3A_27 : vector<128x8192xf32> to vector<128x8192xbf16>
    %get3A_28 = arith.constant 0 : index
    %get3A_29 = arith.constant 0 : index
    %get3A_30 = vector.load %arg3[%get3A_28, %get3A_29] : memref<16x128xbf16, #tpu.memory_space<vmem>>, vector<16x128xbf16>
    %dot_general3A = arith.constant dense<0.000000e+00> : vector<16x8192xf32>
    %dot_general3A_31 = tpu.matmul %get3A_30, %convert_element_type3A, %dot_general3A {dimension_numbers = #tpu.dot_dimension_numbers<[1], [0], [0], [1], [0, 0, 1, 1], [], []>, transpose_lhs_hint = false} : vector<16x128xbf16>, vector<128x8192xbf16>, vector<16x8192xf32> -> vector<16x8192xf32>
    %get3A_32 = arith.constant 0 : index
    %get3A_33 = arith.constant 0 : index
    %get3A_34 = vector.load %arg6[%get3A_32, %get3A_33] : memref<16x1xf32, #tpu.memory_space<vmem>>, vector<16x1xf32>
    %add3A_35 = vector.broadcast %get3A_34 : vector<16x1xf32> to vector<16x8192xf32>
    %add3A_36 = arith.addf %dot_general3A_31, %add3A_35 : vector<16x8192xf32>
    %reduce_max3A = arith.constant dense<0xFF800000> : vector<8192xf32>
    %reduce_max3A_37 = vector.multi_reduction <maximumf>, %add3A_36, %reduce_max3A [0] : vector<16x8192xf32> to vector<8192xf32>
    %get3A_38 = arith.constant 0 : index
    %get3A_39 = vector.load %arg2[%get3A_38] : memref<8192xf32, #tpu.memory_space<vmem>>, vector<8192xf32>
    %ne3A = arith.constant 0.000000e+00 : f32
    %ne3A_40 = vector.broadcast %ne3A : f32 to vector<8192xf32>
    %ne3A_41 = arith.cmpf one, %get3A_39, %ne3A_40 : vector<8192xf32>
    %jit3A = arith.constant 0xFF800000 : f32
    %broadcast_in_dim3A_42 = vector.broadcast %jit3A : f32 to vector<8192xf32>
    %select_n3A = arith.select %ne3A_41, %reduce_max3A_37, %broadcast_in_dim3A_42 : vector<8192xi1>, vector<8192xf32>
    %swap3A = arith.constant 0 : index
    %swap3A_43 = vector.load %arg7[%swap3A] : memref<8192xf32, #tpu.memory_space<vmem>>, vector<8192xf32>
    tpu.vector_store %arg7[%swap3A], %select_n3A {strides = array<i32>} : memref<8192xf32, #tpu.memory_space<vmem>>, vector<8192xf32>,
    return
  }
  func.func @transform_0(%arg0: i32) -> (i32, i32, i32) {
    %add3A = arith.constant 0 : i32
    %add3A_0 = arith.addi %add3A, %arg0 : i32
    %c0_i32 = arith.constant 0 : i32
    %c0_i32_1 = arith.constant 0 : i32
    %c0_i32_2 = arith.constant 0 : i32
    return %add3A_0, %c0_i32, %c0_i32_1 : i32, i32, i32
  }
  func.func @transform_1(%arg0: i32) -> i32 {
    %add3A = arith.constant 0 : i32
    %add3A_0 = arith.addi %add3A, %arg0 : i32
    %c0_i32 = arith.constant 0 : i32
    return %add3A_0 : i32
  }
  func.func @transform_2(%arg0: i32) -> (i32, i32) {
    %c0_i32 = arith.constant 0 : i32
    %c0_i32_0 = arith.constant 0 : i32
    %c0_i32_1 = arith.constant 0 : i32
    return %c0_i32, %c0_i32_0 : i32, i32
  }
  func.func @transform_3(%arg0: i32) -> (i32, i32) {
    %c0_i32 = arith.constant 0 : i32
    %c0_i32_0 = arith.constant 0 : i32
    %c0_i32_1 = arith.constant 0 : i32
    return %c0_i32, %c0_i32_0 : i32, i32
  }
  func.func @transform_4(%arg0: i32) -> (i32, i32) {
    %c0_i32 = arith.constant 0 : i32
    %c0_i32_0 = arith.constant 0 : i32
    %c0_i32_1 = arith.constant 0 : i32
    return %c0_i32, %c0_i32_0 : i32, i32
  }
  func.func @transform_5(%arg0: i32) -> (i32, i32) {
    %c0_i32 = arith.constant 0 : i32
    %c0_i32_0 = arith.constant 0 : i32
    %c0_i32_1 = arith.constant 0 : i32
    return %c0_i32, %c0_i32_0 : i32, i32
  }
  func.func @transform_6(%arg0: i32) -> i32 {
    %c0_i32 = arith.constant 0 : i32
    return %arg0 : i32
  }
}

module attributes {stable_mosaic.version = 14 : i64} {
  func.func @_final_body(%arg0: memref<64x16x128xf32, #tpu.memory_space<vmem>>, %arg1: memref<1x128xf32, #tpu.memory_space<vmem>>, %arg2: memref<1x128xf32, #tpu.memory_space<vmem>>, %arg3: memref<128x16xbf16, #tpu.memory_space<vmem>>, %arg4: memref<1x16xf32, #tpu.memory_space<vmem>>, %arg5: memref<64x16xf32, #tpu.memory_space<vmem>>) attributes {dimension_semantics = [], scalar_prefetch = 0 : i64, scratch_operands = 0 : i64, tpu.core_type = #tpu.core_type<tc>} {
    %broadcast_in_dim3A = arith.constant 0.000000e+00 : f32
    %broadcast_in_dim3A_0 = vector.broadcast %broadcast_in_dim3A : f32 to vector<64x16xf32>
    %get3A = arith.constant 0 : index
    %get3A_1 = arith.constant 8 : index
    %get3A_2 = arith.constant 0 : index
    %get3A_3 = vector.load %arg0[%get3A, %get3A_1, %get3A_2] : memref<64x16x128xf32, #tpu.memory_space<vmem>>, vector<64x1x128xf32>
    %get3A_4 = vector.shape_cast %get3A_3 : vector<64x1x128xf32> to vector<64x128xf32>
    %reduce_sum3A = arith.constant dense<0.000000e+00> : vector<64xf32>
    %reduce_sum3A_5 = vector.multi_reduction <add>, %get3A_4, %reduce_sum3A [1] : vector<64x128xf32> to vector<64xf32>
    %broadcast_in_dim3A_6 = vector.shape_cast %reduce_sum3A_5 : vector<64xf32> to vector<64x1xf32>
    %div3A = arith.constant 1.280000e+02 : f32
    %div3A_7 = vector.broadcast %div3A : f32 to vector<64x1xf32>
    %div3A_8 = arith.divf %broadcast_in_dim3A_6, %div3A_7 : vector<64x1xf32>
    %sub3A = vector.broadcast %div3A_8 : vector<64x1xf32> to vector<64x128xf32>
    %sub3A_9 = arith.subf %get3A_4, %sub3A : vector<64x128xf32>
    %mul3A = arith.mulf %sub3A_9, %sub3A_9 : vector<64x128xf32>
    %reduce_sum3A_10 = arith.constant dense<0.000000e+00> : vector<64xf32>
    %reduce_sum3A_11 = vector.multi_reduction <add>, %mul3A, %reduce_sum3A_10 [1] : vector<64x128xf32> to vector<64xf32>
    %broadcast_in_dim3A_12 = vector.shape_cast %reduce_sum3A_11 : vector<64xf32> to vector<64x1xf32>
    %div3A_13 = arith.constant 1.280000e+02 : f32
    %div3A_14 = vector.broadcast %div3A_13 : f32 to vector<64x1xf32>
    %div3A_15 = arith.divf %broadcast_in_dim3A_12, %div3A_14 : vector<64x1xf32>
    %add3A = arith.constant 9.99999974E-6 : f32
    %add3A_16 = vector.broadcast %add3A : f32 to vector<64x1xf32>
    %add3A_17 = arith.addf %div3A_15, %add3A_16 : vector<64x1xf32>
    %sqrt3A = math.sqrt %add3A_17 : vector<64x1xf32>
    %div3A_18 = vector.broadcast %sqrt3A : vector<64x1xf32> to vector<64x128xf32>
    %div3A_19 = arith.divf %sub3A_9, %div3A_18 : vector<64x128xf32>
    %get3A_20 = arith.constant 0 : index
    %get3A_21 = arith.constant 0 : index
    %get3A_22 = vector.load %arg1[%get3A_20, %get3A_21] : memref<1x128xf32, #tpu.memory_space<vmem>>, vector<1x128xf32>
    %get3A_23 = vector.shape_cast %get3A_22 : vector<1x128xf32> to vector<128xf32>
    %broadcast_in_dim3A_24 = vector.shape_cast %get3A_23 : vector<128xf32> to vector<1x128xf32>
    %mul3A_25 = vector.broadcast %broadcast_in_dim3A_24 : vector<1x128xf32> to vector<64x128xf32>
    %mul3A_26 = arith.mulf %div3A_19, %mul3A_25 : vector<64x128xf32>
    %get3A_27 = arith.constant 0 : index
    %get3A_28 = arith.constant 0 : index
    %get3A_29 = vector.load %arg2[%get3A_27, %get3A_28] : memref<1x128xf32, #tpu.memory_space<vmem>>, vector<1x128xf32>
    %get3A_30 = vector.shape_cast %get3A_29 : vector<1x128xf32> to vector<128xf32>
    %broadcast_in_dim3A_31 = vector.shape_cast %get3A_30 : vector<128xf32> to vector<1x128xf32>
    %add3A_32 = vector.broadcast %broadcast_in_dim3A_31 : vector<1x128xf32> to vector<64x128xf32>
    %add3A_33 = arith.addf %mul3A_26, %add3A_32 : vector<64x128xf32>
    %convert_element_type3A = arith.truncf %add3A_33 : vector<64x128xf32> to vector<64x128xbf16>
    %get3A_34 = arith.constant 0 : index
    %get3A_35 = arith.constant 0 : index
    %get3A_36 = vector.load %arg3[%get3A_34, %get3A_35] : memref<128x16xbf16, #tpu.memory_space<vmem>>, vector<128x16xbf16>
    %dot_general3A = arith.constant dense<0.000000e+00> : vector<64x16xf32>
    %dot_general3A_37 = tpu.matmul %convert_element_type3A, %get3A_36, %dot_general3A {dimension_numbers = #tpu.dot_dimension_numbers<[1], [0], [0], [1], [0, 0, 1, 1], [], []>, transpose_lhs_hint = false} : vector<64x128xbf16>, vector<128x16xbf16>, vector<64x16xf32> -> vector<64x16xf32>
    %add3A_38 = arith.addf %broadcast_in_dim3A_0, %dot_general3A_37 : vector<64x16xf32>
    %get3A_39 = arith.constant 0 : index
    %get3A_40 = arith.constant 9 : index
    %get3A_41 = arith.constant 0 : index
    %get3A_42 = vector.load %arg0[%get3A_39, %get3A_40, %get3A_41] : memref<64x16x128xf32, #tpu.memory_space<vmem>>, vector<64x1x128xf32>
    %get3A_43 = vector.shape_cast %get3A_42 : vector<64x1x128xf32> to vector<64x128xf32>
    %reduce_sum3A_44 = arith.constant dense<0.000000e+00> : vector<64xf32>
    %reduce_sum3A_45 = vector.multi_reduction <add>, %get3A_43, %reduce_sum3A_44 [1] : vector<64x128xf32> to vector<64xf32>
    %broadcast_in_dim3A_46 = vector.shape_cast %reduce_sum3A_45 : vector<64xf32> to vector<64x1xf32>
    %div3A_47 = arith.constant 1.280000e+02 : f32
    %div3A_48 = vector.broadcast %div3A_47 : f32 to vector<64x1xf32>
    %div3A_49 = arith.divf %broadcast_in_dim3A_46, %div3A_48 : vector<64x1xf32>
    %sub3A_50 = vector.broadcast %div3A_49 : vector<64x1xf32> to vector<64x128xf32>
    %sub3A_51 = arith.subf %get3A_43, %sub3A_50 : vector<64x128xf32>
    %mul3A_52 = arith.mulf %sub3A_51, %sub3A_51 : vector<64x128xf32>
    %reduce_sum3A_53 = arith.constant dense<0.000000e+00> : vector<64xf32>
    %reduce_sum3A_54 = vector.multi_reduction <add>, %mul3A_52, %reduce_sum3A_53 [1] : vector<64x128xf32> to vector<64xf32>
    %broadcast_in_dim3A_55 = vector.shape_cast %reduce_sum3A_54 : vector<64xf32> to vector<64x1xf32>
    %div3A_56 = arith.constant 1.280000e+02 : f32
    %div3A_57 = vector.broadcast %div3A_56 : f32 to vector<64x1xf32>
    %div3A_58 = arith.divf %broadcast_in_dim3A_55, %div3A_57 : vector<64x1xf32>
    %add3A_59 = arith.constant 9.99999974E-6 : f32
    %add3A_60 = vector.broadcast %add3A_59 : f32 to vector<64x1xf32>
    %add3A_61 = arith.addf %div3A_58, %add3A_60 : vector<64x1xf32>
    %sqrt3A_62 = math.sqrt %add3A_61 : vector<64x1xf32>
    %div3A_63 = vector.broadcast %sqrt3A_62 : vector<64x1xf32> to vector<64x128xf32>
    %div3A_64 = arith.divf %sub3A_51, %div3A_63 : vector<64x128xf32>
    %get3A_65 = arith.constant 0 : index
    %get3A_66 = arith.constant 0 : index
    %get3A_67 = vector.load %arg1[%get3A_65, %get3A_66] : memref<1x128xf32, #tpu.memory_space<vmem>>, vector<1x128xf32>
    %get3A_68 = vector.shape_cast %get3A_67 : vector<1x128xf32> to vector<128xf32>
    %broadcast_in_dim3A_69 = vector.shape_cast %get3A_68 : vector<128xf32> to vector<1x128xf32>
    %mul3A_70 = vector.broadcast %broadcast_in_dim3A_69 : vector<1x128xf32> to vector<64x128xf32>
    %mul3A_71 = arith.mulf %div3A_64, %mul3A_70 : vector<64x128xf32>
    %get3A_72 = arith.constant 0 : index
    %get3A_73 = arith.constant 0 : index
    %get3A_74 = vector.load %arg2[%get3A_72, %get3A_73] : memref<1x128xf32, #tpu.memory_space<vmem>>, vector<1x128xf32>
    %get3A_75 = vector.shape_cast %get3A_74 : vector<1x128xf32> to vector<128xf32>
    %broadcast_in_dim3A_76 = vector.shape_cast %get3A_75 : vector<128xf32> to vector<1x128xf32>
    %add3A_77 = vector.broadcast %broadcast_in_dim3A_76 : vector<1x128xf32> to vector<64x128xf32>
    %add3A_78 = arith.addf %mul3A_71, %add3A_77 : vector<64x128xf32>
    %convert_element_type3A_79 = arith.truncf %add3A_78 : vector<64x128xf32> to vector<64x128xbf16>
    %get3A_80 = arith.constant 0 : index
    %get3A_81 = arith.constant 0 : index
    %get3A_82 = vector.load %arg3[%get3A_80, %get3A_81] : memref<128x16xbf16, #tpu.memory_space<vmem>>, vector<128x16xbf16>
    %dot_general3A_83 = arith.constant dense<0.000000e+00> : vector<64x16xf32>
    %dot_general3A_84 = tpu.matmul %convert_element_type3A_79, %get3A_82, %dot_general3A_83 {dimension_numbers = #tpu.dot_dimension_numbers<[1], [0], [0], [1], [0, 0, 1, 1], [], []>, transpose_lhs_hint = false} : vector<64x128xbf16>, vector<128x16xbf16>, vector<64x16xf32> -> vector<64x16xf32>
    %add3A_85 = arith.addf %add3A_38, %dot_general3A_84 : vector<64x16xf32>
    %get3A_86 = arith.constant 0 : index
    %get3A_87 = arith.constant 10 : index
    %get3A_88 = arith.constant 0 : index
    %get3A_89 = vector.load %arg0[%get3A_86, %get3A_87, %get3A_88] : memref<64x16x128xf32, #tpu.memory_space<vmem>>, vector<64x1x128xf32>
    %get3A_90 = vector.shape_cast %get3A_89 : vector<64x1x128xf32> to vector<64x128xf32>
    %reduce_sum3A_91 = arith.constant dense<0.000000e+00> : vector<64xf32>
    %reduce_sum3A_92 = vector.multi_reduction <add>, %get3A_90, %reduce_sum3A_91 [1] : vector<64x128xf32> to vector<64xf32>
    %broadcast_in_dim3A_93 = vector.shape_cast %reduce_sum3A_92 : vector<64xf32> to vector<64x1xf32>
    %div3A_94 = arith.constant 1.280000e+02 : f32
    %div3A_95 = vector.broadcast %div3A_94 : f32 to vector<64x1xf32>
    %div3A_96 = arith.divf %broadcast_in_dim3A_93, %div3A_95 : vector<64x1xf32>
    %sub3A_97 = vector.broadcast %div3A_96 : vector<64x1xf32> to vector<64x128xf32>
    %sub3A_98 = arith.subf %get3A_90, %sub3A_97 : vector<64x128xf32>
    %mul3A_99 = arith.mulf %sub3A_98, %sub3A_98 : vector<64x128xf32>
    %reduce_sum3A_100 = arith.constant dense<0.000000e+00> : vector<64xf32>
    %reduce_sum3A_101 = vector.multi_reduction <add>, %mul3A_99, %reduce_sum3A_100 [1] : vector<64x128xf32> to vector<64xf32>
    %broadcast_in_dim3A_102 = vector.shape_cast %reduce_sum3A_101 : vector<64xf32> to vector<64x1xf32>
    %div3A_103 = arith.constant 1.280000e+02 : f32
    %div3A_104 = vector.broadcast %div3A_103 : f32 to vector<64x1xf32>
    %div3A_105 = arith.divf %broadcast_in_dim3A_102, %div3A_104 : vector<64x1xf32>
    %add3A_106 = arith.constant 9.99999974E-6 : f32
    %add3A_107 = vector.broadcast %add3A_106 : f32 to vector<64x1xf32>
    %add3A_108 = arith.addf %div3A_105, %add3A_107 : vector<64x1xf32>
    %sqrt3A_109 = math.sqrt %add3A_108 : vector<64x1xf32>
    %div3A_110 = vector.broadcast %sqrt3A_109 : vector<64x1xf32> to vector<64x128xf32>
    %div3A_111 = arith.divf %sub3A_98, %div3A_110 : vector<64x128xf32>
    %get3A_112 = arith.constant 0 : index
    %get3A_113 = arith.constant 0 : index
    %get3A_114 = vector.load %arg1[%get3A_112, %get3A_113] : memref<1x128xf32, #tpu.memory_space<vmem>>, vector<1x128xf32>
    %get3A_115 = vector.shape_cast %get3A_114 : vector<1x128xf32> to vector<128xf32>
    %broadcast_in_dim3A_116 = vector.shape_cast %get3A_115 : vector<128xf32> to vector<1x128xf32>
    %mul3A_117 = vector.broadcast %broadcast_in_dim3A_116 : vector<1x128xf32> to vector<64x128xf32>
    %mul3A_118 = arith.mulf %div3A_111, %mul3A_117 : vector<64x128xf32>
    %get3A_119 = arith.constant 0 : index
    %get3A_120 = arith.constant 0 : index
    %get3A_121 = vector.load %arg2[%get3A_119, %get3A_120] : memref<1x128xf32, #tpu.memory_space<vmem>>, vector<1x128xf32>
    %get3A_122 = vector.shape_cast %get3A_121 : vector<1x128xf32> to vector<128xf32>
    %broadcast_in_dim3A_123 = vector.shape_cast %get3A_122 : vector<128xf32> to vector<1x128xf32>
    %add3A_124 = vector.broadcast %broadcast_in_dim3A_123 : vector<1x128xf32> to vector<64x128xf32>
    %add3A_125 = arith.addf %mul3A_118, %add3A_124 : vector<64x128xf32>
    %convert_element_type3A_126 = arith.truncf %add3A_125 : vector<64x128xf32> to vector<64x128xbf16>
    %get3A_127 = arith.constant 0 : index
    %get3A_128 = arith.constant 0 : index
    %get3A_129 = vector.load %arg3[%get3A_127, %get3A_128] : memref<128x16xbf16, #tpu.memory_space<vmem>>, vector<128x16xbf16>
    %dot_general3A_130 = arith.constant dense<0.000000e+00> : vector<64x16xf32>
    %dot_general3A_131 = tpu.matmul %convert_element_type3A_126, %get3A_129, %dot_general3A_130 {dimension_numbers = #tpu.dot_dimension_numbers<[1], [0], [0], [1], [0, 0, 1, 1], [], []>, transpose_lhs_hint = false} : vector<64x128xbf16>, vector<128x16xbf16>, vector<64x16xf32> -> vector<64x16xf32>
    %add3A_132 = arith.addf %add3A_85, %dot_general3A_131 : vector<64x16xf32>
    %get3A_133 = arith.constant 0 : index
    %get3A_134 = arith.constant 11 : index
    %get3A_135 = arith.constant 0 : index
    %get3A_136 = vector.load %arg0[%get3A_133, %get3A_134, %get3A_135] : memref<64x16x128xf32, #tpu.memory_space<vmem>>, vector<64x1x128xf32>
    %get3A_137 = vector.shape_cast %get3A_136 : vector<64x1x128xf32> to vector<64x128xf32>
    %reduce_sum3A_138 = arith.constant dense<0.000000e+00> : vector<64xf32>
    %reduce_sum3A_139 = vector.multi_reduction <add>, %get3A_137, %reduce_sum3A_138 [1] : vector<64x128xf32> to vector<64xf32>
    %broadcast_in_dim3A_140 = vector.shape_cast %reduce_sum3A_139 : vector<64xf32> to vector<64x1xf32>
    %div3A_141 = arith.constant 1.280000e+02 : f32
    %div3A_142 = vector.broadcast %div3A_141 : f32 to vector<64x1xf32>
    %div3A_143 = arith.divf %broadcast_in_dim3A_140, %div3A_142 : vector<64x1xf32>
    %sub3A_144 = vector.broadcast %div3A_143 : vector<64x1xf32> to vector<64x128xf32>
    %sub3A_145 = arith.subf %get3A_137, %sub3A_144 : vector<64x128xf32>
    %mul3A_146 = arith.mulf %sub3A_145, %sub3A_145 : vector<64x128xf32>
    %reduce_sum3A_147 = arith.constant dense<0.000000e+00> : vector<64xf32>
    %reduce_sum3A_148 = vector.multi_reduction <add>, %mul3A_146, %reduce_sum3A_147 [1] : vector<64x128xf32> to vector<64xf32>
    %broadcast_in_dim3A_149 = vector.shape_cast %reduce_sum3A_148 : vector<64xf32> to vector<64x1xf32>
    %div3A_150 = arith.constant 1.280000e+02 : f32
    %div3A_151 = vector.broadcast %div3A_150 : f32 to vector<64x1xf32>
    %div3A_152 = arith.divf %broadcast_in_dim3A_149, %div3A_151 : vector<64x1xf32>
    %add3A_153 = arith.constant 9.99999974E-6 : f32
    %add3A_154 = vector.broadcast %add3A_153 : f32 to vector<64x1xf32>
    %add3A_155 = arith.addf %div3A_152, %add3A_154 : vector<64x1xf32>
    %sqrt3A_156 = math.sqrt %add3A_155 : vector<64x1xf32>
    %div3A_157 = vector.broadcast %sqrt3A_156 : vector<64x1xf32> to vector<64x128xf32>
    %div3A_158 = arith.divf %sub3A_145, %div3A_157 : vector<64x128xf32>
    %get3A_159 = arith.constant 0 : index
    %get3A_160 = arith.constant 0 : index
    %get3A_161 = vector.load %arg1[%get3A_159, %get3A_160] : memref<1x128xf32, #tpu.memory_space<vmem>>, vector<1x128xf32>
    %get3A_162 = vector.shape_cast %get3A_161 : vector<1x128xf32> to vector<128xf32>
    %broadcast_in_dim3A_163 = vector.shape_cast %get3A_162 : vector<128xf32> to vector<1x128xf32>
    %mul3A_164 = vector.broadcast %broadcast_in_dim3A_163 : vector<1x128xf32> to vector<64x128xf32>
    %mul3A_165 = arith.mulf %div3A_158, %mul3A_164 : vector<64x128xf32>
    %get3A_166 = arith.constant 0 : index
    %get3A_167 = arith.constant 0 : index
    %get3A_168 = vector.load %arg2[%get3A_166, %get3A_167] : memref<1x128xf32, #tpu.memory_space<vmem>>, vector<1x128xf32>
    %get3A_169 = vector.shape_cast %get3A_168 : vector<1x128xf32> to vector<128xf32>
    %broadcast_in_dim3A_170 = vector.shape_cast %get3A_169 : vector<128xf32> to vector<1x128xf32>
    %add3A_171 = vector.broadcast %broadcast_in_dim3A_170 : vector<1x128xf32> to vector<64x128xf32>
    %add3A_172 = arith.addf %mul3A_165, %add3A_171 : vector<64x128xf32>
    %convert_element_type3A_173 = arith.truncf %add3A_172 : vector<64x128xf32> to vector<64x128xbf16>
    %get3A_174 = arith.constant 0 : index
    %get3A_175 = arith.constant 0 : index
    %get3A_176 = vector.load %arg3[%get3A_174, %get3A_175] : memref<128x16xbf16, #tpu.memory_space<vmem>>, vector<128x16xbf16>
    %dot_general3A_177 = arith.constant dense<0.000000e+00> : vector<64x16xf32>
    %dot_general3A_178 = tpu.matmul %convert_element_type3A_173, %get3A_176, %dot_general3A_177 {dimension_numbers = #tpu.dot_dimension_numbers<[1], [0], [0], [1], [0, 0, 1, 1], [], []>, transpose_lhs_hint = false} : vector<64x128xbf16>, vector<128x16xbf16>, vector<64x16xf32> -> vector<64x16xf32>
    %add3A_179 = arith.addf %add3A_132, %dot_general3A_178 : vector<64x16xf32>
    %get3A_180 = arith.constant 0 : index
    %get3A_181 = arith.constant 12 : index
    %get3A_182 = arith.constant 0 : index
    %get3A_183 = vector.load %arg0[%get3A_180, %get3A_181, %get3A_182] : memref<64x16x128xf32, #tpu.memory_space<vmem>>, vector<64x1x128xf32>
    %get3A_184 = vector.shape_cast %get3A_183 : vector<64x1x128xf32> to vector<64x128xf32>
    %reduce_sum3A_185 = arith.constant dense<0.000000e+00> : vector<64xf32>
    %reduce_sum3A_186 = vector.multi_reduction <add>, %get3A_184, %reduce_sum3A_185 [1] : vector<64x128xf32> to vector<64xf32>
    %broadcast_in_dim3A_187 = vector.shape_cast %reduce_sum3A_186 : vector<64xf32> to vector<64x1xf32>
    %div3A_188 = arith.constant 1.280000e+02 : f32
    %div3A_189 = vector.broadcast %div3A_188 : f32 to vector<64x1xf32>
    %div3A_190 = arith.divf %broadcast_in_dim3A_187, %div3A_189 : vector<64x1xf32>
    %sub3A_191 = vector.broadcast %div3A_190 : vector<64x1xf32> to vector<64x128xf32>
    %sub3A_192 = arith.subf %get3A_184, %sub3A_191 : vector<64x128xf32>
    %mul3A_193 = arith.mulf %sub3A_192, %sub3A_192 : vector<64x128xf32>
    %reduce_sum3A_194 = arith.constant dense<0.000000e+00> : vector<64xf32>
    %reduce_sum3A_195 = vector.multi_reduction <add>, %mul3A_193, %reduce_sum3A_194 [1] : vector<64x128xf32> to vector<64xf32>
    %broadcast_in_dim3A_196 = vector.shape_cast %reduce_sum3A_195 : vector<64xf32> to vector<64x1xf32>
    %div3A_197 = arith.constant 1.280000e+02 : f32
    %div3A_198 = vector.broadcast %div3A_197 : f32 to vector<64x1xf32>
    %div3A_199 = arith.divf %broadcast_in_dim3A_196, %div3A_198 : vector<64x1xf32>
    %add3A_200 = arith.constant 9.99999974E-6 : f32
    %add3A_201 = vector.broadcast %add3A_200 : f32 to vector<64x1xf32>
    %add3A_202 = arith.addf %div3A_199, %add3A_201 : vector<64x1xf32>
    %sqrt3A_203 = math.sqrt %add3A_202 : vector<64x1xf32>
    %div3A_204 = vector.broadcast %sqrt3A_203 : vector<64x1xf32> to vector<64x128xf32>
    %div3A_205 = arith.divf %sub3A_192, %div3A_204 : vector<64x128xf32>
    %get3A_206 = arith.constant 0 : index
    %get3A_207 = arith.constant 0 : index
    %get3A_208 = vector.load %arg1[%get3A_206, %get3A_207] : memref<1x128xf32, #tpu.memory_space<vmem>>, vector<1x128xf32>
    %get3A_209 = vector.shape_cast %get3A_208 : vector<1x128xf32> to vector<128xf32>
    %broadcast_in_dim3A_210 = vector.shape_cast %get3A_209 : vector<128xf32> to vector<1x128xf32>
    %mul3A_211 = vector.broadcast %broadcast_in_dim3A_210 : vector<1x128xf32> to vector<64x128xf32>
    %mul3A_212 = arith.mulf %div3A_205, %mul3A_211 : vector<64x128xf32>
    %get3A_213 = arith.constant 0 : index
    %get3A_214 = arith.constant 0 : index
    %get3A_215 = vector.load %arg2[%get3A_213, %get3A_214] : memref<1x128xf32, #tpu.memory_space<vmem>>, vector<1x128xf32>
    %get3A_216 = vector.shape_cast %get3A_215 : vector<1x128xf32> to vector<128xf32>
    %broadcast_in_dim3A_217 = vector.shape_cast %get3A_216 : vector<128xf32> to vector<1x128xf32>
    %add3A_218 = vector.broadcast %broadcast_in_dim3A_217 : vector<1x128xf32> to vector<64x128xf32>
    %add3A_219 = arith.addf %mul3A_212, %add3A_218 : vector<64x128xf32>
    %convert_element_type3A_220 = arith.truncf %add3A_219 : vector<64x128xf32> to vector<64x128xbf16>
    %get3A_221 = arith.constant 0 : index
    %get3A_222 = arith.constant 0 : index
    %get3A_223 = vector.load %arg3[%get3A_221, %get3A_222] : memref<128x16xbf16, #tpu.memory_space<vmem>>, vector<128x16xbf16>
    %dot_general3A_224 = arith.constant dense<0.000000e+00> : vector<64x16xf32>
    %dot_general3A_225 = tpu.matmul %convert_element_type3A_220, %get3A_223, %dot_general3A_224 {dimension_numbers = #tpu.dot_dimension_numbers<[1], [0], [0], [1], [0, 0, 1, 1], [], []>, transpose_lhs_hint = false} : vector<64x128xbf16>, vector<128x16xbf16>, vector<64x16xf32> -> vector<64x16xf32>
    %add3A_226 = arith.addf %add3A_179, %dot_general3A_225 : vector<64x16xf32>
    %get3A_227 = arith.constant 0 : index
    %get3A_228 = arith.constant 13 : index
    %get3A_229 = arith.constant 0 : index
    %get3A_230 = vector.load %arg0[%get3A_227, %get3A_228, %get3A_229] : memref<64x16x128xf32, #tpu.memory_space<vmem>>, vector<64x1x128xf32>
    %get3A_231 = vector.shape_cast %get3A_230 : vector<64x1x128xf32> to vector<64x128xf32>
    %reduce_sum3A_232 = arith.constant dense<0.000000e+00> : vector<64xf32>
    %reduce_sum3A_233 = vector.multi_reduction <add>, %get3A_231, %reduce_sum3A_232 [1] : vector<64x128xf32> to vector<64xf32>
    %broadcast_in_dim3A_234 = vector.shape_cast %reduce_sum3A_233 : vector<64xf32> to vector<64x1xf32>
    %div3A_235 = arith.constant 1.280000e+02 : f32
    %div3A_236 = vector.broadcast %div3A_235 : f32 to vector<64x1xf32>
    %div3A_237 = arith.divf %broadcast_in_dim3A_234, %div3A_236 : vector<64x1xf32>
    %sub3A_238 = vector.broadcast %div3A_237 : vector<64x1xf32> to vector<64x128xf32>
    %sub3A_239 = arith.subf %get3A_231, %sub3A_238 : vector<64x128xf32>
    %mul3A_240 = arith.mulf %sub3A_239, %sub3A_239 : vector<64x128xf32>
    %reduce_sum3A_241 = arith.constant dense<0.000000e+00> : vector<64xf32>
    %reduce_sum3A_242 = vector.multi_reduction <add>, %mul3A_240, %reduce_sum3A_241 [1] : vector<64x128xf32> to vector<64xf32>
    %broadcast_in_dim3A_243 = vector.shape_cast %reduce_sum3A_242 : vector<64xf32> to vector<64x1xf32>
    %div3A_244 = arith.constant 1.280000e+02 : f32
    %div3A_245 = vector.broadcast %div3A_244 : f32 to vector<64x1xf32>
    %div3A_246 = arith.divf %broadcast_in_dim3A_243, %div3A_245 : vector<64x1xf32>
    %add3A_247 = arith.constant 9.99999974E-6 : f32
    %add3A_248 = vector.broadcast %add3A_247 : f32 to vector<64x1xf32>
    %add3A_249 = arith.addf %div3A_246, %add3A_248 : vector<64x1xf32>
    %sqrt3A_250 = math.sqrt %add3A_249 : vector<64x1xf32>
    %div3A_251 = vector.broadcast %sqrt3A_250 : vector<64x1xf32> to vector<64x128xf32>
    %div3A_252 = arith.divf %sub3A_239, %div3A_251 : vector<64x128xf32>
    %get3A_253 = arith.constant 0 : index
    %get3A_254 = arith.constant 0 : index
    %get3A_255 = vector.load %arg1[%get3A_253, %get3A_254] : memref<1x128xf32, #tpu.memory_space<vmem>>, vector<1x128xf32>
    %get3A_256 = vector.shape_cast %get3A_255 : vector<1x128xf32> to vector<128xf32>
    %broadcast_in_dim3A_257 = vector.shape_cast %get3A_256 : vector<128xf32> to vector<1x128xf32>
    %mul3A_258 = vector.broadcast %broadcast_in_dim3A_257 : vector<1x128xf32> to vector<64x128xf32>
    %mul3A_259 = arith.mulf %div3A_252, %mul3A_258 : vector<64x128xf32>
    %get3A_260 = arith.constant 0 : index
    %get3A_261 = arith.constant 0 : index
    %get3A_262 = vector.load %arg2[%get3A_260, %get3A_261] : memref<1x128xf32, #tpu.memory_space<vmem>>, vector<1x128xf32>
    %get3A_263 = vector.shape_cast %get3A_262 : vector<1x128xf32> to vector<128xf32>
    %broadcast_in_dim3A_264 = vector.shape_cast %get3A_263 : vector<128xf32> to vector<1x128xf32>
    %add3A_265 = vector.broadcast %broadcast_in_dim3A_264 : vector<1x128xf32> to vector<64x128xf32>
    %add3A_266 = arith.addf %mul3A_259, %add3A_265 : vector<64x128xf32>
    %convert_element_type3A_267 = arith.truncf %add3A_266 : vector<64x128xf32> to vector<64x128xbf16>
    %get3A_268 = arith.constant 0 : index
    %get3A_269 = arith.constant 0 : index
    %get3A_270 = vector.load %arg3[%get3A_268, %get3A_269] : memref<128x16xbf16, #tpu.memory_space<vmem>>, vector<128x16xbf16>
    %dot_general3A_271 = arith.constant dense<0.000000e+00> : vector<64x16xf32>
    %dot_general3A_272 = tpu.matmul %convert_element_type3A_267, %get3A_270, %dot_general3A_271 {dimension_numbers = #tpu.dot_dimension_numbers<[1], [0], [0], [1], [0, 0, 1, 1], [], []>, transpose_lhs_hint = false} : vector<64x128xbf16>, vector<128x16xbf16>, vector<64x16xf32> -> vector<64x16xf32>
    %add3A_273 = arith.addf %add3A_226, %dot_general3A_272 : vector<64x16xf32>
    %get3A_274 = arith.constant 0 : index
    %get3A_275 = arith.constant 14 : index
    %get3A_276 = arith.constant 0 : index
    %get3A_277 = vector.load %arg0[%get3A_274, %get3A_275, %get3A_276] : memref<64x16x128xf32, #tpu.memory_space<vmem>>, vector<64x1x128xf32>
    %get3A_278 = vector.shape_cast %get3A_277 : vector<64x1x128xf32> to vector<64x128xf32>
    %reduce_sum3A_279 = arith.constant dense<0.000000e+00> : vector<64xf32>
    %reduce_sum3A_280 = vector.multi_reduction <add>, %get3A_278, %reduce_sum3A_279 [1] : vector<64x128xf32> to vector<64xf32>
    %broadcast_in_dim3A_281 = vector.shape_cast %reduce_sum3A_280 : vector<64xf32> to vector<64x1xf32>
    %div3A_282 = arith.constant 1.280000e+02 : f32
    %div3A_283 = vector.broadcast %div3A_282 : f32 to vector<64x1xf32>
    %div3A_284 = arith.divf %broadcast_in_dim3A_281, %div3A_283 : vector<64x1xf32>
    %sub3A_285 = vector.broadcast %div3A_284 : vector<64x1xf32> to vector<64x128xf32>
    %sub3A_286 = arith.subf %get3A_278, %sub3A_285 : vector<64x128xf32>
    %mul3A_287 = arith.mulf %sub3A_286, %sub3A_286 : vector<64x128xf32>
    %reduce_sum3A_288 = arith.constant dense<0.000000e+00> : vector<64xf32>
    %reduce_sum3A_289 = vector.multi_reduction <add>, %mul3A_287, %reduce_sum3A_288 [1] : vector<64x128xf32> to vector<64xf32>
    %broadcast_in_dim3A_290 = vector.shape_cast %reduce_sum3A_289 : vector<64xf32> to vector<64x1xf32>
    %div3A_291 = arith.constant 1.280000e+02 : f32
    %div3A_292 = vector.broadcast %div3A_291 : f32 to vector<64x1xf32>
    %div3A_293 = arith.divf %broadcast_in_dim3A_290, %div3A_292 : vector<64x1xf32>
    %add3A_294 = arith.constant 9.99999974E-6 : f32
    %add3A_295 = vector.broadcast %add3A_294 : f32 to vector<64x1xf32>
    %add3A_296 = arith.addf %div3A_293, %add3A_295 : vector<64x1xf32>
    %sqrt3A_297 = math.sqrt %add3A_296 : vector<64x1xf32>
    %div3A_298 = vector.broadcast %sqrt3A_297 : vector<64x1xf32> to vector<64x128xf32>
    %div3A_299 = arith.divf %sub3A_286, %div3A_298 : vector<64x128xf32>
    %get3A_300 = arith.constant 0 : index
    %get3A_301 = arith.constant 0 : index
    %get3A_302 = vector.load %arg1[%get3A_300, %get3A_301] : memref<1x128xf32, #tpu.memory_space<vmem>>, vector<1x128xf32>
    %get3A_303 = vector.shape_cast %get3A_302 : vector<1x128xf32> to vector<128xf32>
    %broadcast_in_dim3A_304 = vector.shape_cast %get3A_303 : vector<128xf32> to vector<1x128xf32>
    %mul3A_305 = vector.broadcast %broadcast_in_dim3A_304 : vector<1x128xf32> to vector<64x128xf32>
    %mul3A_306 = arith.mulf %div3A_299, %mul3A_305 : vector<64x128xf32>
    %get3A_307 = arith.constant 0 : index
    %get3A_308 = arith.constant 0 : index
    %get3A_309 = vector.load %arg2[%get3A_307, %get3A_308] : memref<1x128xf32, #tpu.memory_space<vmem>>, vector<1x128xf32>
    %get3A_310 = vector.shape_cast %get3A_309 : vector<1x128xf32> to vector<128xf32>
    %broadcast_in_dim3A_311 = vector.shape_cast %get3A_310 : vector<128xf32> to vector<1x128xf32>
    %add3A_312 = vector.broadcast %broadcast_in_dim3A_311 : vector<1x128xf32> to vector<64x128xf32>
    %add3A_313 = arith.addf %mul3A_306, %add3A_312 : vector<64x128xf32>
    %convert_element_type3A_314 = arith.truncf %add3A_313 : vector<64x128xf32> to vector<64x128xbf16>
    %get3A_315 = arith.constant 0 : index
    %get3A_316 = arith.constant 0 : index
    %get3A_317 = vector.load %arg3[%get3A_315, %get3A_316] : memref<128x16xbf16, #tpu.memory_space<vmem>>, vector<128x16xbf16>
    %dot_general3A_318 = arith.constant dense<0.000000e+00> : vector<64x16xf32>
    %dot_general3A_319 = tpu.matmul %convert_element_type3A_314, %get3A_317, %dot_general3A_318 {dimension_numbers = #tpu.dot_dimension_numbers<[1], [0], [0], [1], [0, 0, 1, 1], [], []>, transpose_lhs_hint = false} : vector<64x128xbf16>, vector<128x16xbf16>, vector<64x16xf32> -> vector<64x16xf32>
    %add3A_320 = arith.addf %add3A_273, %dot_general3A_319 : vector<64x16xf32>
    %get3A_321 = arith.constant 0 : index
    %get3A_322 = arith.constant 15 : index
    %get3A_323 = arith.constant 0 : index
    %get3A_324 = vector.load %arg0[%get3A_321, %get3A_322, %get3A_323] : memref<64x16x128xf32, #tpu.memory_space<vmem>>, vector<64x1x128xf32>
    %get3A_325 = vector.shape_cast %get3A_324 : vector<64x1x128xf32> to vector<64x128xf32>
    %reduce_sum3A_326 = arith.constant dense<0.000000e+00> : vector<64xf32>
    %reduce_sum3A_327 = vector.multi_reduction <add>, %get3A_325, %reduce_sum3A_326 [1] : vector<64x128xf32> to vector<64xf32>
    %broadcast_in_dim3A_328 = vector.shape_cast %reduce_sum3A_327 : vector<64xf32> to vector<64x1xf32>
    %div3A_329 = arith.constant 1.280000e+02 : f32
    %div3A_330 = vector.broadcast %div3A_329 : f32 to vector<64x1xf32>
    %div3A_331 = arith.divf %broadcast_in_dim3A_328, %div3A_330 : vector<64x1xf32>
    %sub3A_332 = vector.broadcast %div3A_331 : vector<64x1xf32> to vector<64x128xf32>
    %sub3A_333 = arith.subf %get3A_325, %sub3A_332 : vector<64x128xf32>
    %mul3A_334 = arith.mulf %sub3A_333, %sub3A_333 : vector<64x128xf32>
    %reduce_sum3A_335 = arith.constant dense<0.000000e+00> : vector<64xf32>
    %reduce_sum3A_336 = vector.multi_reduction <add>, %mul3A_334, %reduce_sum3A_335 [1] : vector<64x128xf32> to vector<64xf32>
    %broadcast_in_dim3A_337 = vector.shape_cast %reduce_sum3A_336 : vector<64xf32> to vector<64x1xf32>
    %div3A_338 = arith.constant 1.280000e+02 : f32
    %div3A_339 = vector.broadcast %div3A_338 : f32 to vector<64x1xf32>
    %div3A_340 = arith.divf %broadcast_in_dim3A_337, %div3A_339 : vector<64x1xf32>
    %add3A_341 = arith.constant 9.99999974E-6 : f32
    %add3A_342 = vector.broadcast %add3A_341 : f32 to vector<64x1xf32>
    %add3A_343 = arith.addf %div3A_340, %add3A_342 : vector<64x1xf32>
    %sqrt3A_344 = math.sqrt %add3A_343 : vector<64x1xf32>
    %div3A_345 = vector.broadcast %sqrt3A_344 : vector<64x1xf32> to vector<64x128xf32>
    %div3A_346 = arith.divf %sub3A_333, %div3A_345 : vector<64x128xf32>
    %get3A_347 = arith.constant 0 : index
    %get3A_348 = arith.constant 0 : index
    %get3A_349 = vector.load %arg1[%get3A_347, %get3A_348] : memref<1x128xf32, #tpu.memory_space<vmem>>, vector<1x128xf32>
    %get3A_350 = vector.shape_cast %get3A_349 : vector<1x128xf32> to vector<128xf32>
    %broadcast_in_dim3A_351 = vector.shape_cast %get3A_350 : vector<128xf32> to vector<1x128xf32>
    %mul3A_352 = vector.broadcast %broadcast_in_dim3A_351 : vector<1x128xf32> to vector<64x128xf32>
    %mul3A_353 = arith.mulf %div3A_346, %mul3A_352 : vector<64x128xf32>
    %get3A_354 = arith.constant 0 : index
    %get3A_355 = arith.constant 0 : index
    %get3A_356 = vector.load %arg2[%get3A_354, %get3A_355] : memref<1x128xf32, #tpu.memory_space<vmem>>, vector<1x128xf32>
    %get3A_357 = vector.shape_cast %get3A_356 : vector<1x128xf32> to vector<128xf32>
    %broadcast_in_dim3A_358 = vector.shape_cast %get3A_357 : vector<128xf32> to vector<1x128xf32>
    %add3A_359 = vector.broadcast %broadcast_in_dim3A_358 : vector<1x128xf32> to vector<64x128xf32>
    %add3A_360 = arith.addf %mul3A_353, %add3A_359 : vector<64x128xf32>
    %convert_element_type3A_361 = arith.truncf %add3A_360 : vector<64x128xf32> to vector<64x128xbf16>
    %get3A_362 = arith.constant 0 : index
    %get3A_363 = arith.constant 0 : index
    %get3A_364 = vector.load %arg3[%get3A_362, %get3A_363] : memref<128x16xbf16, #tpu.memory_space<vmem>>, vector<128x16xbf16>
    %dot_general3A_365 = arith.constant dense<0.000000e+00> : vector<64x16xf32>
    %dot_general3A_366 = tpu.matmul %convert_element_type3A_361, %get3A_364, %dot_general3A_365 {dimension_numbers = #tpu.dot_dimension_numbers<[1], [0], [0], [1], [0, 0, 1, 1], [], []>, transpose_lhs_hint = false} : vector<64x128xbf16>, vector<128x16xbf16>, vector<64x16xf32> -> vector<64x16xf32>
    %add3A_367 = arith.addf %add3A_320, %dot_general3A_366 : vector<64x16xf32>
    %mul3A_368 = arith.constant 1.250000e-01 : f32
    %mul3A_369 = vector.broadcast %mul3A_368 : f32 to vector<64x16xf32>
    %mul3A_370 = arith.mulf %add3A_367, %mul3A_369 : vector<64x16xf32>
    %get3A_371 = arith.constant 0 : index
    %get3A_372 = arith.constant 0 : index
    %get3A_373 = vector.load %arg4[%get3A_371, %get3A_372] : memref<1x16xf32, #tpu.memory_space<vmem>>, vector<1x16xf32>
    %get3A_374 = vector.shape_cast %get3A_373 : vector<1x16xf32> to vector<16xf32>
    %broadcast_in_dim3A_375 = vector.shape_cast %get3A_374 : vector<16xf32> to vector<1x16xf32>
    %add3A_376 = vector.broadcast %broadcast_in_dim3A_375 : vector<1x16xf32> to vector<64x16xf32>
    %add3A_377 = arith.addf %mul3A_370, %add3A_376 : vector<64x16xf32>
    %swap3A = arith.constant 0 : index
    %swap3A_378 = arith.constant 0 : index
    %swap3A_379 = vector.load %arg5[%swap3A, %swap3A_378] : memref<64x16xf32, #tpu.memory_space<vmem>>, vector<64x16xf32>
    tpu.vector_store %arg5[%swap3A, %swap3A_378], %add3A_377 {strides = array<i32>} : memref<64x16xf32, #tpu.memory_space<vmem>>, vector<64x16xf32>,
    return
  }
}

</mosaic_0001>

<sc_bundles>
// kernel: kernel.10.cloned.1.call-start
scs
__scs_entry_jumppad:
0x0: {  	(pc) =	sbr.rel $0x88, $3  }
0x1: {  	(tag) =	ssettag $0x0;
	lr =	simm.s32 $0x1  }
0x2: {  	[smem:$0x3F9B] =	sst lr;
	_ =	strace $0xD0000000  }
0x3: {  	_ = 	snop  }
0x4: {  	_ = 	snop  }
0x5: {  	_ = 	snop  }
0x6: {  	_ = 	snop  }
0x7: {  	_ = 	snop  }
__scs_overlays_trampoline_lowered:
0x8: {  	[smem:$0x3FAA] =	sst s0  }
0x9: {  	[smem:$0x3FAB] =	sst s1  }
0xa: {  	[smem:$0x3FAC] =	sst s2  }
0xb: {  	[smem:$0x3FAD] =	sst s3  }
0xc: {  	[smem:$0x3FAE] =	sst s4  }
0xd: {  	[smem:$0x3FAF] =	sst s5  }
0xe: {  	[smem:$0x3FB0] =	sst s6  }
0xf: {  	[smem:$0x3FB1] =	sst s7  }
0x10: {  	[smem:$0x3FB2] =	sst s8  }
0x11: {  	[smem:$0x3FB3] =	sst s9;
	s0 =	simm.s32 @!p0 $0x0  }
0x12: {  	s1 =	sld [smem:$0x3F99];
	s0 =	simm.s32 @p0 $0x1  }
0x13: {  	[smem:$0x3FB4] =	sst s0;
	s0 =	simm.s32 @!p1 $0x0  }
0x14: {  	s2 =	sld [smem:$0x3F98];
	s0 =	simm.s32 @p1 $0x1  }
0x15: {  	[smem:$0x3FB5] =	sst s0;
	s0 =	simm.s32 @!p2 $0x0  }
0x16: {  	s3 =	sld [smem:$0x3FDB];
	s0 =	simm.s32 @p2 $0x1  }
0x17: {  	s4 =	simm.s32 $0x1BF5;
	[smem:$0x3FB7] =	sst s0  }
0x18: {  	s0 =	sld [smem:$0x3F9A];
	_ =	swait.ge [sflag:s4], $0x0  }
0x19: {  	s7 =	sld [smem:$0x3F9B]  }
0x1a: {  	s8 =	sadd.s32 $0xFFFFE003, lr  }
0x1b: {  	s9 =	sadd.s32 $0xFFFFFEF7, lr;
	s5 =	simm.s32 $0xFFFFFFFF;
	p2 =	slt.u32 s8, $0xFFFFF086  }
0x1c: {  	p1 =	slt.u32 s9, $0xF7A;
	s5 =	simm.s32 @!p2 $0x0  }
0x1d: {  	s5 =	simm.s32 @p1 $0x1;
	p0 =	seq.s32 s7, s2  }
0x1e: {  	s7 =	smul.u32 @!p0 $0xF7A, s2;
	p2 =	seq.s32 @!p0 s5, $0x0  }
0x1f: {  	s9 =	smul.u32 $0xF7A, s1;
	s8 =	simm.s32 @!p0 $0x1BF5;
	p2 =	por !p2, p0  }
0x20: {  	[sflag:s8] =	ssyncset.s32 @!p0 $0xFFFFF086;
	s6 =	sadd.s32 @!p0 s3, s7;
	s7 =	simm.s32 @!p0 $0x108  }
0x21: {  	s3 =	sadd.s32 s3, s9;
	s6 =	sadd.s32 @!p0 $0x88, s6;
	s7 =	simm.s32 @p2 $0x1082  }
0x22: {  	[simem:s7], [sflag:s8] =	dma.local @!p0 [hbm:s6], $0xF7A  }
0x23: {  	s9 =	sor.u32 $0xD0000000, s2;
	s6 =	simm.s32 $0x108;
	_ =	swait.ge @!p0 [sflag:s8], $0x0  }
0x24: {  	s3 =	sadd.s32 $0x88, s3;
	s6 =	simm.s32 @!p1 $0x1082;
	[sflag:s4] =	ssyncset.s32 $0xFFFFF086  }
0x25: {  	[simem:s6], [sflag:s4] =	dma.local [hbm:s3], $0xF7A  }
0x26: {  	[smem:$0x3F9B] =	sst s1;
	(tag) =	ssettag s2;
	_ =	strace s9  }
0x27: {  	s1 =	sld [smem:$0x3FAB]  }
0x28: {  	s2 =	sld [smem:$0x3FAC]  }
0x29: {  	s4 =	sld [smem:$0x3FAE]  }
0x2a: {  	p0 =	seq.s32 s5, $0x0;
	s5 =	sld [smem:$0x3FAF]  }
0x2b: {  	s6 =	sld [smem:$0x3FB0]  }
0x2c: {  	s7 =	sld [smem:$0x3FB1]  }
0x2d: {  	s3 =	simm.s32 $0x108;
	s8 =	sld [smem:$0x3FB2]  }
0x2e: {  	s3 =	simm.s32 @!p0 $0x1082;
	s9 =	sld [smem:$0x3FB3]  }
0x2f: {  	lr =	sadd.s32 s0, s3;
	s0 =	sld [smem:$0x3FAA]  }
0x30: {  	s3 =	sld [smem:$0x3FAD]  }
0x31: {  	[smem:$0x3FB6] =	sst s10  }
0x32: {  	s10 =	sld [smem:$0x3FB4];
	_ =	sdelay $0x3  }
0x33: {  	p0 =	seq.s32 s10, $0x1;
	s10 =	sld [smem:$0x3FB6];
	_ =	sdelay $0x3  }
0x34: {  	[smem:$0x3FB6] =	sst s10  }
0x35: {  	s10 =	sld [smem:$0x3FB5];
	_ =	sdelay $0x3  }
0x36: {  	p1 =	seq.s32 s10, $0x1;
	s10 =	sld [smem:$0x3FB6];
	_ =	sdelay $0x3  }
0x37: {  	[smem:$0x3FB6] =	sst s10  }
0x38: {  	s10 =	sld [smem:$0x3FB7]  }
0x39: {  	_ = 	snop;
	(pc) =	sbr.ind lr, $3  }
0x3a: {  	_ = 	snop  }
0x3b: {  	_ = 	snop  }
0x3c: {  	p2 =	seq.s32 s10, $0x1;
	s10 =	sld [smem:$0x3FB6]  }
0x3d: {  	_ =	shalt  }
0x3e: {  	_ =	shalt  }
0x3f: {  	_ =	shalt  }
0x40: {  	_ =	shalt  }
0x41: {  	_ =	shalt  }
0x42: {  	_ =	shalt  }
0x43: {  	_ =	shalt  }
0x44: {  	_ =	shalt  }
0x45: {  	_ =	shalt  }
0x46: {  	_ =	shalt  }
0x47: {  	_ =	shalt  }
0x48: {  	_ =	shalt  }
0x49: {  	_ =	shalt  }
0x4a: {  	_ =	shalt  }
0x4b: {  	_ =	shalt  }
0x4c: {  	_ =	shalt  }
0x4d: {  	_ =	shalt  }
0x4e: {  	_ =	shalt  }
0x4f: {  	_ =	shalt  }
0x50: {  	_ =	shalt  }
0x51: {  	_ =	shalt  }
0x52: {  	_ =	shalt  }
0x53: {  	_ =	shalt  }
0x54: {  	_ =	shalt  }
0x55: {  	_ =	shalt  }
0x56: {  	_ =	shalt  }
0x57: {  	_ =	shalt  }
0x58: {  	_ =	shalt  }
0x59: {  	_ =	shalt  }
0x5a: {  	_ =	shalt  }
0x5b: {  	_ =	shalt  }
0x5c: {  	_ =	shalt  }
0x5d: {  	_ =	shalt  }
0x5e: {  	_ =	shalt  }
0x5f: {  	_ =	shalt  }
0x60: {  	_ =	shalt  }
0x61: {  	_ =	shalt  }
0x62: {  	_ =	shalt  }
0x63: {  	_ =	shalt  }
0x64: {  	_ =	shalt  }
0x65: {  	_ =	shalt  }
0x66: {  	_ =	shalt  }
0x67: {  	_ =	shalt  }
0x68: {  	_ =	shalt  }
0x69: {  	_ =	shalt  }
0x6a: {  	_ =	shalt  }
0x6b: {  	_ =	shalt  }
0x6c: {  	_ =	shalt  }
0x6d: {  	_ =	shalt  }
0x6e: {  	_ =	shalt  }
0x6f: {  	_ =	shalt  }
0x70: {  	_ =	shalt  }
0x71: {  	_ =	shalt  }
0x72: {  	_ =	shalt  }
0x73: {  	_ =	shalt  }
0x74: {  	_ =	shalt  }
0x75: {  	_ =	shalt  }
0x76: {  	_ =	shalt  }
0x77: {  	_ =	shalt  }
0x78: {  	_ =	shalt  }
0x79: {  	_ =	shalt  }
0x7a: {  	_ =	shalt  }
0x7b: {  	_ =	shalt  }
0x7c: {  	_ =	shalt  }
0x7d: {  	_ =	shalt  }
0x7e: {  	_ =	shalt  }
0x7f: {  	_ =	shalt  }
0x80: {  	_ =	shalt  }
0x81: {  	_ =	shalt  }
0x82: {  	_ =	shalt  }
0x83: {  	_ =	shalt  }
0x84: {  	_ =	shalt  }
0x85: {  	_ =	shalt  }
0x86: {  	_ =	shalt  }
0x87: {  	_ =	shalt  }
.Lfunc_end0:
.L_simem_size_0:
called_computation.1_lowered:
.L_overlay_start_0:
0x88: {  	s2 =	sld [smem:$0x3FD9]  }
0x89: {  	s3 =	sld [smem:$0x3FFE];
	_ =	sdelay $0x1  }
0x8a: {  	s1 =	srdreg.scid  }
0x8b: {  	s0 =	sand.u32 $0x1, s1  }
0x8c: {  	s17 =	sshll.u32 s0, $0xA;
	s2 =	sadd.s32 s3, s2  }
0x8d: {  	s2 =	sadd.s32 s2, s17  }
0x8e: {  	[smem:$0x3FC2] =	sst s2  }
0x8f: {  	_ = 	snop  }
0x90: {  	s2 =	sld [smem:$0x3FC9];
	(tm) =	ssettm $0x1  }
0x91: {  	s18 =	sld [smem:$0x3FFB];
	_ =	sdelay $0x3  }
0x92: {  	_ =	strace s18  }
0x93: {  	s3 =	sld [smem:$0x3FFC];
	_ =	sdelay $0x3  }
0x94: {  	_ =	strace s3  }
0x95: {  	s3 =	sld [smem:$0x3FFD];
	_ =	sdelay $0x3  }
0x96: {  	_ =	strace s3  }
0x97: {  	_ =	strace $0x8FFFFFFF  }
0x98: {  	s19 =	sld [smem:$0x3FDB];
	_ =	sdelay $0x1  }
0x99: {  	s4 =	simm.s32 $_scs_section_size  }
0x9a: {  	s5 =	simm.s32 $_size__tile_overlayer_lowered;
	s6 =	simm.s32 $_tile_overlayer_lowered  }
0x9b: {  	s22 =	simm.s32 $0x1BFF;
	s21 =	sshll.u32 s6, $0x1;
	s3 =	sadd.s32 s4, s19  }
0x9c: {  	s7 =	simm.s32 $0x0;
	s20 =	sshll.u32 s5, $0x1;
	s5 =	sadd.s32 s21, s3  }
0x9d: {  	[timem:s7], [sflag:s22] =	dma.local [hbm:s5], s20  }
0x9e: {  	_ =	swait.ge [sflag:s22], s20  }
0x9f: {  	s4 =	ssub.s32 $0x0, s20;
	[sflag:s22] =	ssyncset.done $0x0  }
0xa0: {  	[sflag:s22] =	ssyncadd.s32 s4;
	_ =	sdelay $0x1  }
0xa1: {  	s23 =	simm.s32 $0x1B8B  }
0xa2: {  	_ =	swait.ge [sflag:s23], $0x1  }
0xa3: {  	[sflag:s23] =	ssyncset.done $0x0  }
0xa4: {  	s25 =	simm.s32 $0x1B8E;
	s24 =	sld [smem:$0x3FFE];
	[sflag:s23] =	ssyncadd.s32 $0xFFFFFFFF  }
0xa5: {  	s26 =	simm.s32 $execute0_lowered;
	[smem:$0x3FD2] =	sst s25  }
0xa6: {  	s5 =	sshll.u32 s26, $0x1;
	_ =	strace $0x80000046;
	[dreg:$0x1] =	wrdreg $0xFFFFFFFF  }
0xa7: {  	s28 =	simm.s32 $_size_execute0_lowered;
	s3 =	sadd.s32 s3, s5;
	[dreg:$0x0] =	wrdreg $0x0  }
0xa8: {  	s5 =	sshll.u32 s28, $0x1;
	[dreg:$0x2] =	wrdreg s3  }
0xa9: {  	[dreg:$0x3] =	wrdreg s5  }
0xaa: {  	[dreg:$0x4] =	wrdreg $0xC0  }
0xab: {  	_ =	task [dreg:s7], $0x5FFFF  }
0xac: {  	[dreg:$0x1] =	wrdreg $0xFFFFFFFF  }
0xad: {  	[dreg:$0x0] =	wrdreg $0x60  }
0xae: {  	[dreg:$0x2] =	wrdreg s24  }
0xaf: {  	[dreg:$0x3] =	wrdreg s2  }
0xb0: {  	[dreg:$0x4] =	wrdreg $0xA  }
0xb1: {  	_ =	task.clear_ibuf [dreg:s7], $0x5FFFF;
	_ =	strace $0x90000046  }
0xb2: {  	s29 =	simm.s32 $0xA;
	_ =	strace $0x80000048  }
0xb3: {  	_ =	swait.ge [sflag:s29], $0x1  }
0xb4: {  	[sflag:s29] =	ssyncadd.s32 $0xFFFFFFFF  }
0xb5: {  	_ =	strace $0x90000048  }
0xb6: {  	_ =	sfence  }
0xb7: {  	s30 =	sld [smem:$0x0];
	_ =	sdelay $0x2  }
0xb8: {  	s31 =	sshll.u32 s1, $0xD;
	s1 =	sshrl.u32 s1, $0x2  }
0xb9: {  	s3 =	sand.u32 $0x4000, s31;
	s1 =	sadd.s32 s1, s30  }
0xba: {  	s0 =	sor.u32 s3, s0;
	s1 =	sshll.u32 s1, $0x11  }
0xbb: {  	s0 =	sor.u32 s1, s0  }
0xbc: {  	s0 =	sadd.s32 $0x8F2B, s0  }
0xbd: {  	[sflag:s0] =	ssyncadd.remote.s32 $0x1  }
0xbe: {  	_ =	sfence.sel $0xFFFF  }
0xbf: {  	[dreg:$0x0] =	wrdreg $0xFFFFFFFF;
	(pc) =	sbr.abs _section_cstart, $3  }
0xc0: {  	[dreg:$0x1] =	wrdreg $0xFFFFFFFF  }
0xc1: {  	_ =	task.clear_ibuf [dreg:s7], $0x2FFFF;
	_ =	strace $0x9FFFFFFF  }
0xc2: {  	(tm) =	ssettm $0x7FFFFFFF  }
0xc3: {  	_ =	shalt  }
tec
execute0_lowered:
.L_overlay_start_1:
0x0: {  	(tag) =	ssettag $0x1  }
0x1: {  	s4 =	rddreg [dreg:$0x0]  }
0x2: {  	s1 =	srdreg.scid;
	s0 =	stileid.u32  }
0x3: {  	s2 =	rddreg [dreg:$0x1];
	s3 =	simm.s32 $0x0;
	s9 =	simm.s32 $0x800  }
0x4: {  	s11 =	simm.s32 $0x1;
	s5 =	sand.u32 $0x1, s1;
	s1 =	rddreg [dreg:$0x2]  }
0x5: {  	s12 =	simm.s32 $0x0;
	s6 =	sshll.u32 s0, $0x1;
	[smem:$0x7FF] =	sst s3  }
0x6: {  	s6 =	sor.u32 s5, s6;
	s5 =	ssub.s32 $0x2, s5;
	_ =	strace $0x80000047  }
0x7: {  	v0 =	vlaneseq.u32;
	s7 =	sshll.u32 s6, $0x8;
	s30 =	sshrl.u32 s5, $0x1;
	s31 =	sshll.u32 s6, $0xB  }
0x8: {  	v2 =	vmul.u32 $0xFFFFFFFF, v0;
	s7 =	sadd.s32 s7, s4;
	s8 =	ssub.s32 s5, s30;
	s10 =	sor.u32 $0x10000, s31  }
0x9: {  	s4 =	sadd.s32 $0x1200, s7;
	s5 =	sadd.s32 $0x3200, s7;
	s6 =	smax.u32 s8, $0x1  }
0xa: {  	v2 =	vadd.s32 $0xF, v2;
	s7 =	simm.s32 $0x2;
	s8 =	simm.s32 $0x10;
	v1 =	vmov s10;
	s10 =	simm.s32 $0x880  }
.LBB2_1:
0xb: {  	[tilespmem:s3], [sflag:$0x2] =	stream.linear.gather [hbm4b:s4+s3], $0x800, $0x38;
	[tilespmem:$0x1080] =	vst v63  }
0xc: {  	_ =	swait.ge [sflag:s7], $0x800  }
0xd: {  	[sflag:s7] =	ssyncset.done $0x0  }
0xe: {  	[sflag:s7] =	ssyncadd.s32 $0xFFFFF800  }
0xf: {  	v5 =	vld [tilespmem:s3+$0x0];
	_ =	sdelay $0x3  }
0x10: {  	v3 =	vimm.f32 $-Inf  }
0x11: {  	v4 =	vimm.s32 $0x0;
	vm0 =	vgt.f32 v5, v3  }
0x12: {  	v6 =	vmin.f32 v3, v5;
	v7 =	vnsel vm0, s3, v4  }
0x13: {  	vm1 =	vgt.f32 v6, v3;
	v8 =	vmin.f32 v3, v6;
	v14 =	vsel vm0, s3, v4  }
0x14: {  	v6 =	vmax.f32 v3, v6;
	v9 =	vsel vm1, v4, v7;
	vm2 =	vgt.f32 v8, v3  }
0x15: {  	s13 =	simm.s32 $0x10;
	v10 =	vmin.f32 v3, v8;
	v16 =	vsel vm1, v7, v4;
	v23 =	vmax.f32 v3, v8  }
0x16: {  	v12 =	vld [tilespmem:s13+$0x0];
	v13 =	vsel vm2, v4, v9;
	vm3 =	vgt.f32 v10, v3;
	v11 =	vmin.f32 v3, v10  }
0x17: {  	v17 =	vsel vm2, v9, v4;
	v22 =	vmax.f32 v3, v10;
	v15 =	vsel vm3, v4, v13  }
0x18: {  	vm0 =	vgt.f32 v11, v3;
	v18 =	vmin.f32 v3, v11;
	v26 =	vmax.f32 v3, v11  }
0x19: {  	v11 =	vmax.f32 v3, v5;
	v7 =	vsel vm3, v13, v4;
	vm1 =	vgt.f32 v18, v3  }
0x1a: {  	v5 =	vsel vm0, v4, v15;
	v8 =	vsel vm0, v15, v4;
	v9 =	vmax.f32 v3, v18  }
0x1b: {  	v13 =	vmin.f32 v3, v18;
	vm2 =	vgt.f32 v12, v11;
	v21 =	vmin.f32 v11, v12  }
0x1c: {  	s31 =	simm.s32 $0x1;
	v10 =	vsel vm1, v5, v4;
	v27 =	vsel vm1, v4, v5;
	vm4 =	vgt.f32 v13, v3  }
0x1d: {  	v5 =	vmax.f32 v3, v13;
	v20 =	vmin.f32 v3, v13;
	v13 =	vnsel vm2, s31, v14  }
0x1e: {  	vm3 =	vgt.f32 v21, v6;
	v15 =	vmin.f32 v6, v21;
	v18 =	vsel vm2, s31, v14  }
0x1f: {  	vm0 =	vgt.f32 v20, v3;
	v28 =	vsel vm3, v16, v13;
	vm5 =	vgt.f32 v15, v23  }
0x20: {  	v29 =	vmin.f32 v23, v15;
	v19 =	vsel vm3, v13, v16;
	v15 =	vmax.f32 v23, v15  }
0x21: {  	v16 =	vsel vm4, v27, v4;
	v27 =	vsel vm4, v4, v27;
	v24 =	vsel vm5, v17, v28  }
0x22: {  	vm1 =	vgt.f32 v29, v22;
	v30 =	vmin.f32 v22, v29;
	v17 =	vsel vm5, v28, v17  }
0x23: {  	v23 =	vmovc v10;
	vm2 =	vgt.f32 v30, v26;
	v13 =	vmax.f32 v26, v30;
	v26 =	vmin.f32 v26, v30  }
0x24: {  	s14 =	simm.s32 $0x20;
	s13 =	simm.s32 $0x2;
	v14 =	vmax.f32 v22, v29;
	v22 =	vmovc v9;
	v25 =	vsel vm1, v7, v24;
	vm3 =	vgt.f32 v26, v9  }
.LBB2_2:
0x25: {  	p0 =	sne.s32 s13, $0x7F;
	v11 =	vmax.f32 v11, v12;
	v12 =	vld [tilespmem:s14+$0x0];
	v3 =	vmax.f32 v3, v20;
	v4 =	vsel vm0, v27, v4;
	s15 =	smov.u32 s13;
	s13 =	sadd.s32 $0x1, s13  }
0x26: {  	v6 =	vmax.f32 v6, v21;
	v7 =	vsel vm1, v24, v7;
	v20 =	vsel vm2, v8, v25  }
0x27: {  	v8 =	vsel vm2, v25, v8;
	v9 =	vmax.f32 v9, v26;
	v10 =	vsel vm3, v20, v10  }
0x28: {  	v21 =	vmin.f32 v22, v26;
	v28 =	vsel vm3, v23, v20;
	v22 =	vmovc v9;
	v23 =	vmov v10  }
0x29: {  	vm4 =	vgt.f32 v21, v5;
	v20 =	vmin.f32 v5, v21;
	v5 =	vmax.f32 v5, v21  }
0x2a: {  	vm0 =	vgt.f32 v20, v3;
	vm2 =	vgt.f32 v12, v11;
	v21 =	vmin.f32 v11, v12  }
0x2b: {  	v26 =	vnsel vm2, s15, v18;
	vm3 =	vgt.f32 v21, v6;
	v27 =	vmin.f32 v6, v21  }
0x2c: {  	v29 =	vsel vm3, v19, v26;
	vm5 =	vgt.f32 v27, v15;
	v30 =	vmin.f32 v15, v27  }
.Ltmp0:
0x2d: {  	v24 =	vsel vm5, v17, v29;
	vm1 =	vgt.f32 v30, v14;
	v31 =	vmin.f32 v14, v30;
	(pc) =	sbr.rel @p0 .LBB2_2-.Ltmp0, $4  }
0x2e: {  	v18 =	vsel vm2, s15, v18;
	v25 =	vsel vm1, v7, v24;
	vm2 =	vgt.f32 v31, v13  }
0x2f: {  	v19 =	vsel vm3, v26, v19;
	v17 =	vsel vm5, v29, v17;
	v14 =	vmax.f32 v14, v30  }
0x30: {  	v15 =	vmax.f32 v15, v27;
	v26 =	vmin.f32 v13, v31;
	v13 =	vmax.f32 v13, v31  }
0x31: {  	s14 =	sadd.s32 $0x10, s14;
	v27 =	vsel vm4, v16, v28;
	v16 =	vsel vm4, v28, v16;
	vm3 =	vgt.f32 v26, v9  }
0x32: {  	v11 =	vmax.f32 v11, v12;
	v3 =	vmax.f32 v3, v20;
	v4 =	vsel vm0, v27, v4  }
0x33: {  	v6 =	vmax.f32 v6, v21;
	v7 =	vsel vm1, v24, v7;
	v24 =	vsel vm2, v8, v25  }
0x34: {  	v25 =	vsel vm2, v25, v8;
	v9 =	vmax.f32 v9, v26;
	v26 =	vmin.f32 v22, v26  }
0x35: {  	v18 =	vshll.u32 v18, $0x4;
	v19 =	vshll.u32 v19, $0x4;
	v10 =	vsel vm3, v24, v10  }
0x36: {  	v12 =	vsel vm3, v23, v24;
	vm7 =	vgt.f32 v26, v5;
	v18 =	vor.u32 v0, v18  }
0x37: {  	v17 =	vshll.u32 v17, $0x4;
	v27 =	vmin.f32 v5, v26;
	v28 =	vor.u32 v0, v19;
	(xrf1) =	vsort.ascd.msk.f32 $0xffff, v11, v18  }
0x38: {  	v29 =	vor.u32 v0, v17;
	v7 =	vshll.u32 v7, $0x4;
	vm8 =	vgt.f32 v27, v3;
	(xrf1) =	vsort.ascd.msk.f32 $0xffff, v6, v28  }
0x39: {  	v32 =	vshll.u32 v25, $0x4;
	v30 =	vsel vm7, v12, v16;
	v31 =	vor.u32 v0, v7;
	(xrf1) =	vsort.ascd.msk.f32 $0xffff, v15, v29  }
0x3a: {  	v33 =	vsel vm7, v16, v12;
	v34 =	vor.u32 v0, v32;
	v35 =	vshll.u32 v10, $0x4;
	(xrf1) =	vsort.ascd.msk.f32 $0xffff, v14, v31  }
0x3b: {  	v4 =	vsel vm8, v33, v4;
	v36 =	vor.u32 v0, v35;
	v37 =	vshll.u32 v30, $0x4;
	(xrf1) =	vsort.ascd.msk.f32 $0xffff, v13, v34  }
0x3c: {  	v38 =	vmax.f32 v5, v26;
	v39 =	vor.u32 v0, v37;
	v4 =	vshll.u32 v4, $0x4;
	(xrf1) =	vsort.ascd.msk.f32 $0xffff, v9, v36  }
0x3d: {  	v3 =	vmax.f32 v3, v27;
	v4 =	vor.u32 v0, v4;
	(xrf1) =	vsort.ascd.msk.f32 $0xffff, v38, v39  }
0x3e: {  	(xrf1) =	vsort.ascd.msk.f32 $0xffff, v3, v4;
	_ =	sdelay $0x6  }
0x3f: {  	v3, v4, _ =	vpop (xrf1)  }
0x40: {  	v5, v6, _ =	vpop (xrf1)  }
0x41: {  	v41, v40, _ =	vpop (xrf1);
	v5 =	vperm.xlane v5, v2  }
0x42: {  	v6 =	vperm.xlane v6, v2;
	v43, v42, _ =	vpop (xrf1)  }
0x43: {  	v45, v44, _ =	vpop (xrf1);
	vm9 =	vge.f32 v3, v5  }
0x44: {  	v3 =	vmax.f32 v3, v5;
	v48 =	vperm.xlane v43, v2;
	v47, v46, _ =	vpop (xrf1);
	v4 =	vsel vm9, v4, v6  }
0x45: {  	v49, v50, _ =	vpop (xrf1);
	(xrf1) =	vsort.ascd.msk.f32 $0xffff, v3, v4;
	v3 =	vperm.xlane v42, v2  }
0x46: {  	vm10 =	vge.f32 v41, v48;
	v5 =	vmax.f32 v41, v48;
	v53 =	vperm.xlane v47, v2;
	v51, v52, _ =	vpop (xrf1)  }
0x47: {  	v54 =	vperm.xlane v46, v2;
	v3 =	vsel vm10, v40, v3;
	v4 =	vperm.xlane v51, v2  }
0x48: {  	vm11 =	vge.f32 v45, v53;
	(xrf1) =	vsort.ascd.msk.f32 $0xffff, v5, v3;
	v3 =	vperm.xlane v52, v2  }
0x49: {  	v55 =	vmax.f32 v45, v53;
	v56 =	vsel vm11, v44, v54;
	vm12 =	vge.f32 v49, v4  }
0x4a: {  	(xrf1) =	vsort.ascd.msk.f32 $0xffff, v55, v56;
	v4 =	vmax.f32 v49, v4;
	v3 =	vsel vm12, v50, v3  }
0x4b: {  	(xrf1) =	vsort.ascd.msk.f32 $0xffff, v4, v3;
	_ =	sdelay $0xa  }
0x4c: {  	v3, v4, _ =	vpop (xrf1)  }
0x4d: {  	v57, v58, _ =	vpop (xrf1)  }
0x4e: {  	v7, v8, _ =	vpop (xrf1)  }
0x4f: {  	v5 =	vperm.xlane v57, v2;
	v60, v59, _ =	vpop (xrf1)  }
0x50: {  	v6 =	vperm.xlane v58, v2;
	v9 =	vperm.xlane v60, v2  }
0x51: {  	vm13 =	vge.f32 v3, v5;
	v10 =	vperm.xlane v59, v2  }
0x52: {  	v3 =	vmax.f32 v3, v5;
	v4 =	vsel vm13, v4, v6;
	vm14 =	vge.f32 v7, v9  }
0x53: {  	(xrf1) =	vsort.ascd.msk.f32 $0xffff, v3, v4;
	v3 =	vmax.f32 v7, v9;
	v61 =	vsel vm14, v8, v10  }
0x54: {  	(xrf1) =	vsort.ascd.msk.f32 $0xffff, v3, v61;
	_ =	sdelay $0xc  }
0x55: {  	v3, v4, _ =	vpop (xrf1)  }
0x56: {  	v62, v63, _ =	vpop (xrf1)  }
0x57: {  	v5 =	vperm.xlane v62, v2  }
0x58: {  	v6 =	vperm.xlane v63, v2  }
0x59: {  	vm15 =	vge.f32 v3, v5  }
0x5a: {  	v3 =	vmax.f32 v3, v5;
	v4 =	vsel vm15, v4, v6  }
0x5b: {  	(xrf1) =	vsort.ascd.msk.f32 $0xffff, v3, v4;
	_ =	sdelay $0xd  }
0x5c: {  	_, v3, _ =	vpop (xrf1)  }
0x5d: {  	v3 =	vadd.s32 v1, v3  }
0x5e: {  	[tilespmem:$0x800] =	vst v3  }
0x5f: {  	[tilespmem:s10], [sflag:$0x1] =	stream.indirect.gather [hbm4b:s2+s8], $0x80, s9, s8, $0xb8;
	[tilespmem:$0x1080] =	vst v63  }
0x60: {  	s12 =	sadd.s32 $0x1, s12;
	_ =	swait.ge [sflag:s11], $0x800  }
0x61: {  	p0 =	sne.s32 s12, s6;
	[sflag:s11] =	ssyncset.done $0x0  }
.Ltmp1:
0x62: {  	[sflag:s11] =	ssyncadd.s32 $0xFFFFF800;
	(pc) =	sbr.rel @p0 .LBB2_1-.Ltmp1, $4  }
0x63: {  	[hbm4b:s5+s3] =	stream.linear.scatter [tilespmem:s10], [sflag:$0x2], $0x800, $0x38;
	[tilespmem:$0x1080] =	vst v63  }
0x64: {  	_ =	swait.ge [sflag:s7], $0x800  }
0x65: {  	[sflag:s7] =	ssyncset.done $0x0  }
0x66: {  	[sflag:s7] =	ssyncadd.s32 $0xFFFFF800  }
0x67: {  	_ =	sfence.sel $0x180000  }
0x68: {  	[bflag:$0x0] =	sbarrier.arrive $0xFFFF  }
0x69: {  	p0 =	sne.s32 s0, $0x0;
	_ =	strace $0x90000047  }
0x6a: {  	s0 =	sadd.s32 @!p0 $0x100000, s1;
	[bflag:$0x2] =	sbarrier.arrive $0xFFFF  }
0x6b: {  	[sflag:s0] =	ssyncadd.tile.s32 @!p0 $0x1;
	_ =	shalt  }
.Lfunc_end2:
_tile_overlayer_lowered:
.L_overlay_start_2:
0x6c: {  	(tag) =	ssettag $0x2  }
0x6d: {  	s0 =	rddreg [dreg:$0x0];
	s2 =	stileid.u32  }
0x6e: {  	s1 =	rddreg [dreg:$0x1];
	p0 =	sne.s32 s2, $0x0  }
0x6f: {  	s3 =	rddreg [dreg:$0x2];
	[bflag:$0x3] =	sbarrier.arrive $0xFFFF;
	s2 =	simm.s32 @!p0 $0x1C02  }
0x70: {  	[timem:s3], [sflag:s2] =	dma.local @!p0 [hbm:s0], s1  }
0x71: {  	s0 =	simm.s32 @!p0 $0x2  }
0x72: {  	_ =	swait.ge @!p0 [sflag:s0], s1  }
0x73: {  	s1 =	ssub.s32 @!p0 $0x0, s1;
	[sflag:s0] =	ssyncset.done @!p0 $0x0  }
0x74: {  	[sflag:s0] =	ssyncadd.s32 @!p0 s1  }
0x75: {  	[bflag:$0x3] =	sbarrier.arrive $0xFFFF  }
0x76: {  	_ =	shalt  }

// kernel: kernel.7.cloned.1.call-start
scs
__scs_entry_jumppad:
0x0: {  	(pc) =	sbr.rel $0x88, $3  }
0x1: {  	(tag) =	ssettag $0x0;
	lr =	simm.s32 $0x1  }
0x2: {  	[smem:$0x3F9B] =	sst lr;
	_ =	strace $0xD0000000  }
0x3: {  	_ = 	snop  }
0x4: {  	_ = 	snop  }
0x5: {  	_ = 	snop  }
0x6: {  	_ = 	snop  }
0x7: {  	_ = 	snop  }
__scs_overlays_trampoline_lowered:
0x8: {  	[smem:$0x3FAA] =	sst s0  }
0x9: {  	[smem:$0x3FAB] =	sst s1  }
0xa: {  	[smem:$0x3FAC] =	sst s2  }
0xb: {  	[smem:$0x3FAD] =	sst s3  }
0xc: {  	[smem:$0x3FAE] =	sst s4  }
0xd: {  	[smem:$0x3FAF] =	sst s5  }
0xe: {  	[smem:$0x3FB0] =	sst s6  }
0xf: {  	[smem:$0x3FB1] =	sst s7  }
0x10: {  	[smem:$0x3FB2] =	sst s8  }
0x11: {  	[smem:$0x3FB3] =	sst s9;
	s0 =	simm.s32 @!p0 $0x0  }
0x12: {  	s1 =	sld [smem:$0x3F99];
	s0 =	simm.s32 @p0 $0x1  }
0x13: {  	[smem:$0x3FB4] =	sst s0;
	s0 =	simm.s32 @!p1 $0x0  }
0x14: {  	s2 =	sld [smem:$0x3F98];
	s0 =	simm.s32 @p1 $0x1  }
0x15: {  	[smem:$0x3FB5] =	sst s0;
	s0 =	simm.s32 @!p2 $0x0  }
0x16: {  	s3 =	sld [smem:$0x3FDB];
	s0 =	simm.s32 @p2 $0x1  }
0x17: {  	s4 =	simm.s32 $0x1BF5;
	[smem:$0x3FB7] =	sst s0  }
0x18: {  	s0 =	sld [smem:$0x3F9A];
	_ =	swait.ge [sflag:s4], $0x0  }
0x19: {  	s7 =	sld [smem:$0x3F9B]  }
0x1a: {  	s8 =	sadd.s32 $0xFFFFE003, lr  }
0x1b: {  	s9 =	sadd.s32 $0xFFFFFEF7, lr;
	s5 =	simm.s32 $0xFFFFFFFF;
	p2 =	slt.u32 s8, $0xFFFFF086  }
0x1c: {  	p1 =	slt.u32 s9, $0xF7A;
	s5 =	simm.s32 @!p2 $0x0  }
0x1d: {  	s5 =	simm.s32 @p1 $0x1;
	p0 =	seq.s32 s7, s2  }
0x1e: {  	s7 =	smul.u32 @!p0 $0xF7A, s2;
	p2 =	seq.s32 @!p0 s5, $0x0  }
0x1f: {  	s9 =	smul.u32 $0xF7A, s1;
	s8 =	simm.s32 @!p0 $0x1BF5;
	p2 =	por !p2, p0  }
0x20: {  	[sflag:s8] =	ssyncset.s32 @!p0 $0xFFFFF086;
	s6 =	sadd.s32 @!p0 s3, s7;
	s7 =	simm.s32 @!p0 $0x108  }
0x21: {  	s3 =	sadd.s32 s3, s9;
	s6 =	sadd.s32 @!p0 $0x88, s6;
	s7 =	simm.s32 @p2 $0x1082  }
0x22: {  	[simem:s7], [sflag:s8] =	dma.local @!p0 [hbm:s6], $0xF7A  }
0x23: {  	s9 =	sor.u32 $0xD0000000, s2;
	s6 =	simm.s32 $0x108;
	_ =	swait.ge @!p0 [sflag:s8], $0x0  }
0x24: {  	s3 =	sadd.s32 $0x88, s3;
	s6 =	simm.s32 @!p1 $0x1082;
	[sflag:s4] =	ssyncset.s32 $0xFFFFF086  }
0x25: {  	[simem:s6], [sflag:s4] =	dma.local [hbm:s3], $0xF7A  }
0x26: {  	[smem:$0x3F9B] =	sst s1;
	(tag) =	ssettag s2;
	_ =	strace s9  }
0x27: {  	s1 =	sld [smem:$0x3FAB]  }
0x28: {  	s2 =	sld [smem:$0x3FAC]  }
0x29: {  	s4 =	sld [smem:$0x3FAE]  }
0x2a: {  	p0 =	seq.s32 s5, $0x0;
	s5 =	sld [smem:$0x3FAF]  }
0x2b: {  	s6 =	sld [smem:$0x3FB0]  }
0x2c: {  	s7 =	sld [smem:$0x3FB1]  }
0x2d: {  	s3 =	simm.s32 $0x108;
	s8 =	sld [smem:$0x3FB2]  }
0x2e: {  	s3 =	simm.s32 @!p0 $0x1082;
	s9 =	sld [smem:$0x3FB3]  }
0x2f: {  	lr =	sadd.s32 s0, s3;
	s0 =	sld [smem:$0x3FAA]  }
0x30: {  	s3 =	sld [smem:$0x3FAD]  }
0x31: {  	[smem:$0x3FB6] =	sst s10  }
0x32: {  	s10 =	sld [smem:$0x3FB4];
	_ =	sdelay $0x3  }
0x33: {  	p0 =	seq.s32 s10, $0x1;
	s10 =	sld [smem:$0x3FB6];
	_ =	sdelay $0x3  }
0x34: {  	[smem:$0x3FB6] =	sst s10  }
0x35: {  	s10 =	sld [smem:$0x3FB5];
	_ =	sdelay $0x3  }
0x36: {  	p1 =	seq.s32 s10, $0x1;
	s10 =	sld [smem:$0x3FB6];
	_ =	sdelay $0x3  }
0x37: {  	[smem:$0x3FB6] =	sst s10  }
0x38: {  	s10 =	sld [smem:$0x3FB7]  }
0x39: {  	_ = 	snop;
	(pc) =	sbr.ind lr, $3  }
0x3a: {  	_ = 	snop  }
0x3b: {  	_ = 	snop  }
0x3c: {  	p2 =	seq.s32 s10, $0x1;
	s10 =	sld [smem:$0x3FB6]  }
0x3d: {  	_ =	shalt  }
0x3e: {  	_ =	shalt  }
0x3f: {  	_ =	shalt  }
0x40: {  	_ =	shalt  }
0x41: {  	_ =	shalt  }
0x42: {  	_ =	shalt  }
0x43: {  	_ =	shalt  }
0x44: {  	_ =	shalt  }
0x45: {  	_ =	shalt  }
0x46: {  	_ =	shalt  }
0x47: {  	_ =	shalt  }
0x48: {  	_ =	shalt  }
0x49: {  	_ =	shalt  }
0x4a: {  	_ =	shalt  }
0x4b: {  	_ =	shalt  }
0x4c: {  	_ =	shalt  }
0x4d: {  	_ =	shalt  }
0x4e: {  	_ =	shalt  }
0x4f: {  	_ =	shalt  }
0x50: {  	_ =	shalt  }
0x51: {  	_ =	shalt  }
0x52: {  	_ =	shalt  }
0x53: {  	_ =	shalt  }
0x54: {  	_ =	shalt  }
0x55: {  	_ =	shalt  }
0x56: {  	_ =	shalt  }
0x57: {  	_ =	shalt  }
0x58: {  	_ =	shalt  }
0x59: {  	_ =	shalt  }
0x5a: {  	_ =	shalt  }
0x5b: {  	_ =	shalt  }
0x5c: {  	_ =	shalt  }
0x5d: {  	_ =	shalt  }
0x5e: {  	_ =	shalt  }
0x5f: {  	_ =	shalt  }
0x60: {  	_ =	shalt  }
0x61: {  	_ =	shalt  }
0x62: {  	_ =	shalt  }
0x63: {  	_ =	shalt  }
0x64: {  	_ =	shalt  }
0x65: {  	_ =	shalt  }
0x66: {  	_ =	shalt  }
0x67: {  	_ =	shalt  }
0x68: {  	_ =	shalt  }
0x69: {  	_ =	shalt  }
0x6a: {  	_ =	shalt  }
0x6b: {  	_ =	shalt  }
0x6c: {  	_ =	shalt  }
0x6d: {  	_ =	shalt  }
0x6e: {  	_ =	shalt  }
0x6f: {  	_ =	shalt  }
0x70: {  	_ =	shalt  }
0x71: {  	_ =	shalt  }
0x72: {  	_ =	shalt  }
0x73: {  	_ =	shalt  }
0x74: {  	_ =	shalt  }
0x75: {  	_ =	shalt  }
0x76: {  	_ =	shalt  }
0x77: {  	_ =	shalt  }
0x78: {  	_ =	shalt  }
0x79: {  	_ =	shalt  }
0x7a: {  	_ =	shalt  }
0x7b: {  	_ =	shalt  }
0x7c: {  	_ =	shalt  }
0x7d: {  	_ =	shalt  }
0x7e: {  	_ =	shalt  }
0x7f: {  	_ =	shalt  }
0x80: {  	_ =	shalt  }
0x81: {  	_ =	shalt  }
0x82: {  	_ =	shalt  }
0x83: {  	_ =	shalt  }
0x84: {  	_ =	shalt  }
0x85: {  	_ =	shalt  }
0x86: {  	_ =	shalt  }
0x87: {  	_ =	shalt  }
.Lfunc_end0:
.L_simem_size_0:
called_computation_lowered:
.L_overlay_start_0:
0x88: {  	s2 =	sld [smem:$0x3FD9]  }
0x89: {  	s3 =	sld [smem:$0x3FFE];
	_ =	sdelay $0x1  }
0x8a: {  	s1 =	srdreg.scid  }
0x8b: {  	s0 =	sand.u32 $0x1, s1  }
0x8c: {  	s17 =	sshll.u32 s0, $0xA;
	s2 =	sadd.s32 s3, s2  }
0x8d: {  	s2 =	sadd.s32 s2, s17  }
0x8e: {  	[smem:$0x3FC2] =	sst s2  }
0x8f: {  	_ = 	snop  }
0x90: {  	s18 =	sld [smem:$0x3FC9];
	(tm) =	ssettm $0x1  }
0x91: {  	s19 =	sld [smem:$0x3FFB];
	_ =	sdelay $0x3  }
0x92: {  	_ =	strace s19  }
0x93: {  	s2 =	sld [smem:$0x3FFC];
	_ =	sdelay $0x3  }
0x94: {  	_ =	strace s2  }
0x95: {  	s2 =	sld [smem:$0x3FFD];
	_ =	sdelay $0x3  }
0x96: {  	_ =	strace s2  }
0x97: {  	_ =	strace $0x8FFFFFFF  }
0x98: {  	s20 =	sld [smem:$0x3FDB];
	_ =	sdelay $0x1  }
0x99: {  	s4 =	simm.s32 $_scs_section_size  }
0x9a: {  	s5 =	simm.s32 $_size__tile_overlayer_lowered;
	s6 =	simm.s32 $_tile_overlayer_lowered  }
0x9b: {  	s7 =	simm.s32 $0x1BFF;
	s21 =	sshll.u32 s6, $0x1;
	s4 =	sadd.s32 s4, s20  }
0x9c: {  	s22 =	simm.s32 $0x0;
	s5 =	sshll.u32 s5, $0x1;
	s6 =	sadd.s32 s21, s4  }
0x9d: {  	[timem:s22], [sflag:s7] =	dma.local [hbm:s6], s5  }
0x9e: {  	_ =	swait.ge [sflag:s7], s5  }
0x9f: {  	s5 =	ssub.s32 $0x0, s5;
	[sflag:s7] =	ssyncset.done $0x0  }
0xa0: {  	[sflag:s7] =	ssyncadd.s32 s5;
	_ =	sdelay $0x1  }
0xa1: {  	s23 =	simm.s32 $0x1B8B  }
0xa2: {  	_ =	swait.ge [sflag:s23], $0x1  }
0xa3: {  	[sflag:s23] =	ssyncset.done $0x0  }
0xa4: {  	[sflag:s23] =	ssyncadd.s32 $0xFFFFFFFF  }
0xa5: {  	s5 =	sld [smem:$0x0]  }
0xa6: {  	s6 =	sand.u32 $0xFFFFFFFE, s1  }
0xa7: {  	p0 =	sne.s32 s1, s6  }
0xa8: {  	s6 =	sshll.u32 @p0 s6, $0xE  }
0xa9: {  	s6 =	sadd.s32 @p0 $0x11B8D, s6;
	s7 =	sshll.u32 @p0 s5, $0x11  }
0xaa: {  	s6 =	sor.u32 @p0 s7, s6  }
0xab: {  	[sflag:s6] =	ssyncadd.remote.s32 @p0 $0x1;
	_ =	sdelay $0x1  }
0xac: {  	s6 =	simm.s32 @p0 $0x1B8D  }
0xad: {  	_ =	swait.eq @p0 [sflag:s6], $0x1  }
0xae: {  	[sflag:s6] =	ssyncadd.s32 @p0 $0xFFFFFFFF  }
0xaf: {  	s7 =	sshll.u32 @!p0 s1, $0xE  }
0xb0: {  	s7 =	sor.u32 @!p0 $0x4000, s7;
	s6 =	simm.s32 @!p0 $0x1B8D  }
0xb1: {  	s5 =	sshll.u32 @!p0 s5, $0x11;
	s7 =	sadd.s32 @!p0 $0x11B8D, s7;
	_ =	swait.eq @!p0 [sflag:s6], $0x1  }
0xb2: {  	s5 =	sor.u32 @!p0 s5, s7;
	[sflag:s6] =	ssyncadd.s32 @!p0 $0xFFFFFFFF  }
0xb3: {  	s25 =	simm.s32 $0x1B8E;
	s24 =	sld [smem:$0x3FFE];
	[sflag:s5] =	ssyncadd.remote.s32 @!p0 $0x1  }
0xb4: {  	s26 =	simm.s32 $execute0_lowered;
	[smem:$0x3FD2] =	sst s25  }
0xb5: {  	s6 =	sshll.u32 s26, $0x1;
	_ =	strace $0x80000049;
	[dreg:$0x1] =	wrdreg $0xFFFFFFFF  }
0xb6: {  	s28 =	simm.s32 $_size_execute0_lowered;
	s4 =	sadd.s32 s4, s6;
	[dreg:$0x0] =	wrdreg $0x0  }
0xb7: {  	s6 =	sshll.u32 s28, $0x1;
	[dreg:$0x2] =	wrdreg s4  }
0xb8: {  	[dreg:$0x3] =	wrdreg s6  }
0xb9: {  	[dreg:$0x4] =	wrdreg $0xC0  }
0xba: {  	_ =	task [dreg:s22], $0x5FFFF  }
0xbb: {  	[dreg:$0x1] =	wrdreg $0xFFFFFFFF  }
0xbc: {  	[dreg:$0x0] =	wrdreg $0x60  }
0xbd: {  	[dreg:$0x2] =	wrdreg s24  }
0xbe: {  	[dreg:$0x3] =	wrdreg s18  }
0xbf: {  	[dreg:$0x4] =	wrdreg $0x9  }
0xc0: {  	_ =	task.clear_ibuf [dreg:s22], $0x5FFFF;
	_ =	strace $0x90000049  }
0xc1: {  	s29 =	simm.s32 $0x9;
	_ =	strace $0x8000004B  }
0xc2: {  	_ =	swait.ge [sflag:s29], $0x1  }
0xc3: {  	[sflag:s29] =	ssyncadd.s32 $0xFFFFFFFF  }
0xc4: {  	_ =	strace $0x9000004B  }
0xc5: {  	_ =	sfence  }
0xc6: {  	s30 =	sld [smem:$0x0];
	_ =	sdelay $0x2  }
0xc7: {  	s31 =	sshll.u32 s1, $0xD;
	s1 =	sshrl.u32 s1, $0x2  }
0xc8: {  	s4 =	sand.u32 $0x4000, s31;
	s1 =	sadd.s32 s1, s30  }
0xc9: {  	s0 =	sor.u32 s4, s0;
	s1 =	sshll.u32 s1, $0x11  }
0xca: {  	s0 =	sor.u32 s1, s0  }
0xcb: {  	s0 =	sadd.s32 $0x8F2B, s0  }
0xcc: {  	[sflag:s0] =	ssyncadd.remote.s32 $0x1  }
0xcd: {  	_ =	sfence.sel $0xFFFF  }
0xce: {  	[dreg:$0x0] =	wrdreg $0xFFFFFFFF;
	(pc) =	sbr.abs _section_cstart, $3  }
0xcf: {  	[dreg:$0x1] =	wrdreg $0xFFFFFFFF  }
0xd0: {  	_ =	task.clear_ibuf [dreg:s22], $0x2FFFF;
	_ =	strace $0x9FFFFFFF  }
0xd1: {  	(tm) =	ssettm $0x7FFFFFFF  }
tec
execute0_lowered:
.L_overlay_start_1:
0x0: {  	(tag) =	ssettag $0x1  }
0x1: {  	s4 =	rddreg [dreg:$0x0]  }
0x2: {  	s2 =	rddreg [dreg:$0x1]  }
0x3: {  	s0 =	rddreg [dreg:$0x2]  }
0x4: {  	s5 =	srdreg.scid;
	s1 =	stileid.u32  }
0x5: {  	s3 =	simm.s32 $0x0;
	s9 =	simm.s32 $0x800;
	s11 =	simm.s32 $0x1  }
0x6: {  	s12 =	simm.s32 $0x0;
	s5 =	sand.u32 $0x1, s5;
	s6 =	sshll.u32 s1, $0x1  }
0x7: {  	[smem:$0x7FF] =	sst s3;
	s6 =	sor.u32 s5, s6;
	s5 =	ssub.s32 $0x2, s5  }
0x8: {  	v0 =	vlaneseq.u32;
	_ =	strace $0x8000004A;
	s7 =	sshll.u32 s6, $0x8;
	s8 =	sshrl.u32 s5, $0x1  }
0x9: {  	v2 =	vmul.u32 $0xFFFFFFFF, v0;
	s10 =	sshll.u32 s6, $0xB;
	s7 =	sadd.s32 s7, s4;
	s8 =	ssub.s32 s5, s8  }
0xa: {  	v1 =	vmov s10;
	s10 =	simm.s32 $0x880;
	s4 =	sadd.s32 $0x5200, s7;
	s5 =	sadd.s32 $0x7200, s7  }
0xb: {  	v2 =	vadd.s32 $0xF, v2;
	s6 =	smax.u32 s8, $0x1;
	s7 =	simm.s32 $0x2;
	s8 =	simm.s32 $0x10  }
.LBB2_1:
0xc: {  	[tilespmem:s3], [sflag:$0x2] =	stream.linear.gather [hbm4b:s4+s3], $0x800, $0x38;
	[tilespmem:$0x1080] =	vst v63  }
0xd: {  	_ =	swait.ge [sflag:s7], $0x800  }
0xe: {  	[sflag:s7] =	ssyncset.done $0x0  }
0xf: {  	[sflag:s7] =	ssyncadd.s32 $0xFFFFF800  }
0x10: {  	v5 =	vld [tilespmem:s3+$0x0];
	_ =	sdelay $0x3  }
0x11: {  	v3 =	vimm.f32 $-Inf  }
0x12: {  	v4 =	vimm.s32 $0x0;
	vm0 =	vgt.f32 v5, v3  }
0x13: {  	v6 =	vmin.f32 v3, v5;
	v7 =	vnsel vm0, s3, v4  }
0x14: {  	vm1 =	vgt.f32 v6, v3;
	v8 =	vmin.f32 v3, v6;
	v14 =	vsel vm0, s3, v4  }
0x15: {  	v6 =	vmax.f32 v3, v6;
	v9 =	vsel vm1, v4, v7;
	vm2 =	vgt.f32 v8, v3  }
0x16: {  	s13 =	simm.s32 $0x10;
	v10 =	vmin.f32 v3, v8;
	v16 =	vsel vm1, v7, v4;
	v23 =	vmax.f32 v3, v8  }
0x17: {  	v12 =	vld [tilespmem:s13+$0x0];
	v13 =	vsel vm2, v4, v9;
	vm3 =	vgt.f32 v10, v3;
	v11 =	vmin.f32 v3, v10  }
0x18: {  	v17 =	vsel vm2, v9, v4;
	v22 =	vmax.f32 v3, v10;
	v15 =	vsel vm3, v4, v13  }
0x19: {  	vm0 =	vgt.f32 v11, v3;
	v18 =	vmin.f32 v3, v11;
	v26 =	vmax.f32 v3, v11  }
0x1a: {  	v11 =	vmax.f32 v3, v5;
	v7 =	vsel vm3, v13, v4;
	vm1 =	vgt.f32 v18, v3  }
0x1b: {  	v5 =	vsel vm0, v4, v15;
	v8 =	vsel vm0, v15, v4;
	v9 =	vmax.f32 v3, v18  }
0x1c: {  	v13 =	vmin.f32 v3, v18;
	vm2 =	vgt.f32 v12, v11;
	v21 =	vmin.f32 v11, v12  }
0x1d: {  	s31 =	simm.s32 $0x1;
	v10 =	vsel vm1, v5, v4;
	v27 =	vsel vm1, v4, v5;
	vm4 =	vgt.f32 v13, v3  }
0x1e: {  	v5 =	vmax.f32 v3, v13;
	v20 =	vmin.f32 v3, v13;
	v13 =	vnsel vm2, s31, v14  }
0x1f: {  	vm3 =	vgt.f32 v21, v6;
	v15 =	vmin.f32 v6, v21;
	v18 =	vsel vm2, s31, v14  }
0x20: {  	vm0 =	vgt.f32 v20, v3;
	v28 =	vsel vm3, v16, v13;
	vm5 =	vgt.f32 v15, v23  }
0x21: {  	v29 =	vmin.f32 v23, v15;
	v19 =	vsel vm3, v13, v16;
	v15 =	vmax.f32 v23, v15  }
0x22: {  	v16 =	vsel vm4, v27, v4;
	v27 =	vsel vm4, v4, v27;
	v24 =	vsel vm5, v17, v28  }
0x23: {  	vm1 =	vgt.f32 v29, v22;
	v30 =	vmin.f32 v22, v29;
	v17 =	vsel vm5, v28, v17  }
0x24: {  	v23 =	vmovc v10;
	vm2 =	vgt.f32 v30, v26;
	v13 =	vmax.f32 v26, v30;
	v26 =	vmin.f32 v26, v30  }
0x25: {  	s14 =	simm.s32 $0x20;
	s13 =	simm.s32 $0x2;
	v14 =	vmax.f32 v22, v29;
	v22 =	vmovc v9;
	v25 =	vsel vm1, v7, v24;
	vm3 =	vgt.f32 v26, v9  }
.LBB2_2:
0x26: {  	p0 =	sne.s32 s13, $0x7F;
	v11 =	vmax.f32 v11, v12;
	v12 =	vld [tilespmem:s14+$0x0];
	v3 =	vmax.f32 v3, v20;
	v4 =	vsel vm0, v27, v4;
	s15 =	smov.u32 s13;
	s13 =	sadd.s32 $0x1, s13  }
0x27: {  	v6 =	vmax.f32 v6, v21;
	v7 =	vsel vm1, v24, v7;
	v20 =	vsel vm2, v8, v25  }
0x28: {  	v8 =	vsel vm2, v25, v8;
	v9 =	vmax.f32 v9, v26;
	v10 =	vsel vm3, v20, v10  }
0x29: {  	v21 =	vmin.f32 v22, v26;
	v28 =	vsel vm3, v23, v20;
	v22 =	vmovc v9;
	v23 =	vmov v10  }
0x2a: {  	vm4 =	vgt.f32 v21, v5;
	v20 =	vmin.f32 v5, v21;
	v5 =	vmax.f32 v5, v21  }
0x2b: {  	vm0 =	vgt.f32 v20, v3;
	vm2 =	vgt.f32 v12, v11;
	v21 =	vmin.f32 v11, v12  }
0x2c: {  	v26 =	vnsel vm2, s15, v18;
	vm3 =	vgt.f32 v21, v6;
	v27 =	vmin.f32 v6, v21  }
0x2d: {  	v29 =	vsel vm3, v19, v26;
	vm5 =	vgt.f32 v27, v15;
	v30 =	vmin.f32 v15, v27  }
.Ltmp0:
0x2e: {  	v24 =	vsel vm5, v17, v29;
	vm1 =	vgt.f32 v30, v14;
	v31 =	vmin.f32 v14, v30;
	(pc) =	sbr.rel @p0 .LBB2_2-.Ltmp0, $4  }
0x2f: {  	v18 =	vsel vm2, s15, v18;
	v25 =	vsel vm1, v7, v24;
	vm2 =	vgt.f32 v31, v13  }
0x30: {  	v19 =	vsel vm3, v26, v19;
	v17 =	vsel vm5, v29, v17;
	v14 =	vmax.f32 v14, v30  }
0x31: {  	v15 =	vmax.f32 v15, v27;
	v26 =	vmin.f32 v13, v31;
	v13 =	vmax.f32 v13, v31  }
0x32: {  	s14 =	sadd.s32 $0x10, s14;
	v27 =	vsel vm4, v16, v28;
	v16 =	vsel vm4, v28, v16;
	vm3 =	vgt.f32 v26, v9  }
0x33: {  	v11 =	vmax.f32 v11, v12;
	v3 =	vmax.f32 v3, v20;
	v4 =	vsel vm0, v27, v4  }
0x34: {  	v6 =	vmax.f32 v6, v21;
	v7 =	vsel vm1, v24, v7;
	v24 =	vsel vm2, v8, v25  }
0x35: {  	v25 =	vsel vm2, v25, v8;
	v9 =	vmax.f32 v9, v26;
	v26 =	vmin.f32 v22, v26  }
0x36: {  	v18 =	vshll.u32 v18, $0x4;
	v19 =	vshll.u32 v19, $0x4;
	v10 =	vsel vm3, v24, v10  }
0x37: {  	v12 =	vsel vm3, v23, v24;
	vm7 =	vgt.f32 v26, v5;
	v18 =	vor.u32 v0, v18  }
0x38: {  	v17 =	vshll.u32 v17, $0x4;
	v27 =	vmin.f32 v5, v26;
	v28 =	vor.u32 v0, v19;
	(xrf1) =	vsort.ascd.msk.f32 $0xffff, v11, v18  }
0x39: {  	v29 =	vor.u32 v0, v17;
	v7 =	vshll.u32 v7, $0x4;
	vm8 =	vgt.f32 v27, v3;
	(xrf1) =	vsort.ascd.msk.f32 $0xffff, v6, v28  }
0x3a: {  	v32 =	vshll.u32 v25, $0x4;
	v30 =	vsel vm7, v12, v16;
	v31 =	vor.u32 v0, v7;
	(xrf1) =	vsort.ascd.msk.f32 $0xffff, v15, v29  }
0x3b: {  	v33 =	vsel vm7, v16, v12;
	v34 =	vor.u32 v0, v32;
	v35 =	vshll.u32 v10, $0x4;
	(xrf1) =	vsort.ascd.msk.f32 $0xffff, v14, v31  }
0x3c: {  	v4 =	vsel vm8, v33, v4;
	v36 =	vor.u32 v0, v35;
	v37 =	vshll.u32 v30, $0x4;
	(xrf1) =	vsort.ascd.msk.f32 $0xffff, v13, v34  }
0x3d: {  	v38 =	vmax.f32 v5, v26;
	v39 =	vor.u32 v0, v37;
	v4 =	vshll.u32 v4, $0x4;
	(xrf1) =	vsort.ascd.msk.f32 $0xffff, v9, v36  }
0x3e: {  	v3 =	vmax.f32 v3, v27;
	v4 =	vor.u32 v0, v4;
	(xrf1) =	vsort.ascd.msk.f32 $0xffff, v38, v39  }
0x3f: {  	(xrf1) =	vsort.ascd.msk.f32 $0xffff, v3, v4;
	_ =	sdelay $0x6  }
0x40: {  	v3, v4, _ =	vpop (xrf1)  }
0x41: {  	v5, v6, _ =	vpop (xrf1)  }
0x42: {  	v41, v40, _ =	vpop (xrf1);
	v5 =	vperm.xlane v5, v2  }
0x43: {  	v6 =	vperm.xlane v6, v2;
	v43, v42, _ =	vpop (xrf1)  }
0x44: {  	v45, v44, _ =	vpop (xrf1);
	vm9 =	vge.f32 v3, v5  }
0x45: {  	v3 =	vmax.f32 v3, v5;
	v48 =	vperm.xlane v43, v2;
	v47, v46, _ =	vpop (xrf1);
	v4 =	vsel vm9, v4, v6  }
0x46: {  	v49, v50, _ =	vpop (xrf1);
	(xrf1) =	vsort.ascd.msk.f32 $0xffff, v3, v4;
	v3 =	vperm.xlane v42, v2  }
0x47: {  	vm10 =	vge.f32 v41, v48;
	v5 =	vmax.f32 v41, v48;
	v53 =	vperm.xlane v47, v2;
	v51, v52, _ =	vpop (xrf1)  }
0x48: {  	v54 =	vperm.xlane v46, v2;
	v3 =	vsel vm10, v40, v3;
	v4 =	vperm.xlane v51, v2  }
0x49: {  	vm11 =	vge.f32 v45, v53;
	(xrf1) =	vsort.ascd.msk.f32 $0xffff, v5, v3;
	v3 =	vperm.xlane v52, v2  }
0x4a: {  	v55 =	vmax.f32 v45, v53;
	v56 =	vsel vm11, v44, v54;
	vm12 =	vge.f32 v49, v4  }
0x4b: {  	(xrf1) =	vsort.ascd.msk.f32 $0xffff, v55, v56;
	v4 =	vmax.f32 v49, v4;
	v3 =	vsel vm12, v50, v3  }
0x4c: {  	(xrf1) =	vsort.ascd.msk.f32 $0xffff, v4, v3;
	_ =	sdelay $0xa  }
0x4d: {  	v3, v4, _ =	vpop (xrf1)  }
0x4e: {  	v57, v58, _ =	vpop (xrf1)  }
0x4f: {  	v7, v8, _ =	vpop (xrf1)  }
0x50: {  	v5 =	vperm.xlane v57, v2;
	v60, v59, _ =	vpop (xrf1)  }
0x51: {  	v6 =	vperm.xlane v58, v2;
	v9 =	vperm.xlane v60, v2  }
0x52: {  	vm13 =	vge.f32 v3, v5;
	v10 =	vperm.xlane v59, v2  }
0x53: {  	v3 =	vmax.f32 v3, v5;
	v4 =	vsel vm13, v4, v6;
	vm14 =	vge.f32 v7, v9  }
0x54: {  	(xrf1) =	vsort.ascd.msk.f32 $0xffff, v3, v4;
	v3 =	vmax.f32 v7, v9;
	v61 =	vsel vm14, v8, v10  }
0x55: {  	(xrf1) =	vsort.ascd.msk.f32 $0xffff, v3, v61;
	_ =	sdelay $0xc  }
0x56: {  	v3, v4, _ =	vpop (xrf1)  }
0x57: {  	v62, v63, _ =	vpop (xrf1)  }
0x58: {  	v5 =	vperm.xlane v62, v2  }
0x59: {  	v6 =	vperm.xlane v63, v2  }
0x5a: {  	vm15 =	vge.f32 v3, v5  }
0x5b: {  	v3 =	vmax.f32 v3, v5;
	v4 =	vsel vm15, v4, v6  }
0x5c: {  	(xrf1) =	vsort.ascd.msk.f32 $0xffff, v3, v4;
	_ =	sdelay $0xd  }
0x5d: {  	_, v3, _ =	vpop (xrf1)  }
0x5e: {  	v3 =	vadd.s32 v1, v3  }
0x5f: {  	[tilespmem:$0x800] =	vst v3  }
0x60: {  	[tilespmem:s10], [sflag:$0x1] =	stream.indirect.gather [hbm4b:s2+s8], $0x80, s9, s8, $0xb8;
	[tilespmem:$0x1080] =	vst v63  }
0x61: {  	s12 =	sadd.s32 $0x1, s12;
	_ =	swait.ge [sflag:s11], $0x800  }
0x62: {  	p0 =	sne.s32 s12, s6;
	[sflag:s11] =	ssyncset.done $0x0  }
.Ltmp1:
0x63: {  	[sflag:s11] =	ssyncadd.s32 $0xFFFFF800;
	(pc) =	sbr.rel @p0 .LBB2_1-.Ltmp1, $4  }
0x64: {  	[hbm4b:s5+s3] =	stream.linear.scatter [tilespmem:s10], [sflag:$0x2], $0x800, $0x38;
	[tilespmem:$0x1080] =	vst v63  }
0x65: {  	_ =	swait.ge [sflag:s7], $0x800  }
0x66: {  	[sflag:s7] =	ssyncset.done $0x0  }
0x67: {  	[sflag:s7] =	ssyncadd.s32 $0xFFFFF800  }
0x68: {  	_ =	sfence.sel $0x180000  }
0x69: {  	[bflag:$0x0] =	sbarrier.arrive $0xFFFF  }
0x6a: {  	p0 =	sne.s32 s1, $0x0;
	_ =	strace $0x9000004A  }
0x6b: {  	s0 =	sadd.s32 @!p0 $0x100000, s0;
	[bflag:$0x2] =	sbarrier.arrive $0xFFFF  }
0x6c: {  	[sflag:s0] =	ssyncadd.tile.s32 @!p0 $0x1;
	_ =	shalt  }
.Lfunc_end2:
_tile_overlayer_lowered:
.L_overlay_start_2:
0x6d: {  	(tag) =	ssettag $0x2  }
0x6e: {  	s0 =	rddreg [dreg:$0x0];
	s2 =	stileid.u32  }
0x6f: {  	s1 =	rddreg [dreg:$0x1];
	p0 =	sne.s32 s2, $0x0  }
0x70: {  	s3 =	rddreg [dreg:$0x2];
	[bflag:$0x3] =	sbarrier.arrive $0xFFFF;
	s2 =	simm.s32 @!p0 $0x1C02  }
0x71: {  	[timem:s3], [sflag:s2] =	dma.local @!p0 [hbm:s0], s1  }
0x72: {  	s0 =	simm.s32 @!p0 $0x2  }
0x73: {  	_ =	swait.ge @!p0 [sflag:s0], s1  }
0x74: {  	s1 =	ssub.s32 @!p0 $0x0, s1;
	[sflag:s0] =	ssyncset.done @!p0 $0x0  }
0x75: {  	[sflag:s0] =	ssyncadd.s32 @!p0 s1  }
0x76: {  	[bflag:$0x3] =	sbarrier.arrive $0xFFFF  }
0x77: {  	_ =	shalt  }

</sc_bundles>
